<compile_context>
chip_gen: v7x
topology: tpu7x:2x2x1
jax: 0.10.2.dev20260603
libtpu: 0.0.44.dev20260713+nightly
codegen_flags: <defaults>
</compile_context>

<pallas_src>
import functools

import jax
import jax.numpy as jnp
from jax import lax
from jax.experimental import pallas as pl
from jax.experimental.pallas import tpu as pltpu
from jax.experimental.pallas import tpu_sc as plsc

EMB = 128
MLP = 64
HALF = 160000
B_TEMP = 0.5

NC = 2
NS = 16
NW = NC * NS
E = 128
PAD_HALF = 163840
CH = PAD_HALF // NW
NR = CH // E


def _proj_body(ne, w1a, w1b, b1r, o1, o2):
    x = ne[...]
    o1[...] = jax.lax.dot_general(
        x, w1a[...], (((1,), (0,)), ((), ())),
        preferred_element_type=jnp.float32,
        precision=jax.lax.Precision.HIGHEST) + b1r[...]
    o2[...] = jax.lax.dot_general(
        x, w1b[...], (((1,), (0,)), ((), ())),
        preferred_element_type=jnp.float32,
        precision=jax.lax.Precision.HIGHEST)


def _proj(node_emb, w1a, w1b, b1r):
    rows = node_emb.shape[0]
    blk = 1000
    return pl.pallas_call(
        _proj_body,
        grid=(rows // blk,),
        in_specs=[
            pl.BlockSpec((blk, EMB), lambda i: (i, 0)),
            pl.BlockSpec((EMB, MLP), lambda i: (0, 0)),
            pl.BlockSpec((EMB, MLP), lambda i: (0, 0)),
            pl.BlockSpec((1, MLP), lambda i: (0, 0)),
        ],
        out_specs=[
            pl.BlockSpec((blk, MLP), lambda i: (i, 0)),
            pl.BlockSpec((blk, MLP), lambda i: (i, 0)),
        ],
        out_shape=[
            jax.ShapeDtypeStruct((rows, MLP), jnp.float32),
            jax.ShapeDtypeStruct((rows, MLP), jnp.float32),
        ],
    )(node_emb, w1a, w1b, b1r)


_MESH = plsc.VectorSubcoreMesh(
    core_axis_name="c", subcore_axis_name="s", num_cores=NC, num_subcores=NS)


@functools.partial(
    pl.kernel,
    out_type=(
        jax.ShapeDtypeStruct((PAD_HALF,), jnp.float32),
        jax.ShapeDtypeStruct((NW, 16), jnp.float32),
    ),
    mesh=_MESH,
    compiler_params=pltpu.CompilerParams(
        needs_layout_passes=False, use_tc_tiling_on_sc=False),
    scratch_types=[
        pltpu.VMEM((E,), jnp.int32),
        pltpu.VMEM((E,), jnp.int32),
        pltpu.VMEM((E, MLP), jnp.float32),
        pltpu.VMEM((E, MLP), jnp.float32),
        pltpu.VMEM((E,), jnp.float32),
        pltpu.VMEM((E,), jnp.float32),
        pltpu.VMEM((E,), jnp.float32),
        pltpu.VMEM((MLP, 16), jnp.float32),
        pltpu.VMEM((16,), jnp.float32),
        pltpu.VMEM((16,), jnp.float32),
        pltpu.SemaphoreType.DMA,
        pltpu.SemaphoreType.DMA,
    ],
)
def _edge(p1, p2, src, dst, noise, ev, w2, b2,
          vals_out, psum_out,
          isrc, idst, rows1, rows2, nbuf, evbuf, obuf,
          w2v, b2v, asum, sem1, sem2):
    wid = lax.axis_index("s") * NC + lax.axis_index("c")
    base = wid * CH

    pltpu.sync_copy(w2, w2v)
    pltpu.sync_copy(b2, b2v)
    b2r = b2v[...]
    asum[...] = jnp.zeros((16,), jnp.float32)

    def round_body(r, carry):
        rbase = base + r * E
        pltpu.sync_copy(src.at[pl.ds(rbase, E)], isrc)
        pltpu.sync_copy(dst.at[pl.ds(rbase, E)], idst)
        pltpu.sync_copy(noise.at[pl.ds(rbase, E)], nbuf)
        pltpu.sync_copy(ev.at[pl.ds(rbase, E)], evbuf)
        c1 = pltpu.async_copy(p1.at[isrc], rows1, sem1)
        c2 = pltpu.async_copy(p2.at[idst], rows2, sem2)
        c1.wait()
        c2.wait()

        def group_body(g, c):
            eids = lax.iota(jnp.int32, 16) + 16 * g
            accs = [jnp.zeros((16,), jnp.float32) for _ in range(4)]
            for k in range(MLP):
                kv = jnp.full((16,), k, jnp.int32)
                a = plsc.load_gather(rows1, [eids, kv])
                b = plsc.load_gather(rows2, [eids, kv])
                accs[k % 4] = accs[k % 4] + jnp.maximum(a + b, 0.0) * w2v[k]
            logit = (accs[0] + accs[1]) + (accs[2] + accs[3])
            sl = pl.ds(g * 16, 16)
            x = (logit + b2r + nbuf[sl]) * (1.0 / B_TEMP)
            s = 1.0 / (1.0 + jnp.exp(-x))
            obuf[sl] = evbuf[sl] * s
            asum[...] = asum[...] + s
            return c

        lax.fori_loop(0, E // 16, group_body, 0)
        pltpu.sync_copy(obuf, vals_out.at[pl.ds(rbase, E)])
        return carry

    lax.fori_loop(0, NR, round_body, 0)
    pltpu.sync_copy(asum, psum_out.at[wid])


def kernel(user_emb, item_emb, edge_index, edge_values, W1, b1, W2, b2):
    node_emb = jnp.concatenate([user_emb, item_emb], axis=0)
    src = edge_index[0, :HALF]
    dst = edge_index[1, :HALF]

    p1, p2 = _proj(node_emb, W1[:EMB], W1[EMB:], b1.reshape(1, MLP))

    bias = 0.0 + 0.0001
    eps_key = jax.random.key(42)
    u = jax.random.uniform(eps_key, (HALF, 1), dtype=jnp.float32)
    eps = (bias - (1.0 - bias)) * u + (1.0 - bias)
    noise = (jnp.log(eps) - jnp.log(1.0 - eps)).reshape(HALF)

    pad = PAD_HALF - HALF
    src_p = jnp.concatenate([src, jnp.zeros((pad,), jnp.int32)])
    dst_p = jnp.concatenate([dst, jnp.zeros((pad,), jnp.int32)])
    ev_p = jnp.concatenate([edge_values[:HALF], jnp.zeros((pad,), jnp.float32)])
    noise_p = jnp.concatenate([noise, jnp.full((pad,), -1e8, jnp.float32)])

    w2s = jnp.broadcast_to(W2.reshape(MLP, 1), (MLP, 16))
    vals_p, psums = _edge(p1, p2, src_p, dst_p, noise_p, ev_p,
                          w2s, jnp.broadcast_to(b2, (16,)))

    new_vals = vals_p[:HALF]
    mean_edge_weight = jnp.sum(psums) / HALF
    sym_vals = jnp.concatenate([new_vals, new_vals])
    sym_rows = jnp.concatenate([src, dst])
    sym_cols = jnp.concatenate([dst, src])
    return sym_vals, sym_rows, sym_cols, mean_edge_weight

# --- scband reference (transcript-rebuilt; emitter-appended) ---
"""Pipeline reference for scband-bern-edge-augmenter-16724602651082 (READ-ONLY COPY).

The authoritative reference and input builder live on the scoring server;
editing this copy changes nothing except your own understanding.
"""

import jax, jax.numpy as jnp
import numpy as np

EMB_DIM = 128
MLP_DIM = 64
B_TEMP = 0.5
N_USERS = 5000
N_ITEMS = 5000
N_NODES = N_USERS + N_ITEMS
N_EDGES = 320000


def setup_inputs(seed: int = 0) -> dict:
    key = jax.random.key(seed)
    ks = jax.random.split(key, 8)
    user_emb = jax.random.normal(ks[0], (N_USERS, EMB_DIM), dtype=jnp.float32)
    item_emb = jax.random.normal(ks[1], (N_ITEMS, EMB_DIM), dtype=jnp.float32)
    edge_index = jax.random.randint(ks[2], (2, N_EDGES), 0, N_NODES, dtype=jnp.int32)
    edge_values = jax.random.uniform(ks[3], (N_EDGES,), dtype=jnp.float32)
    # xavier_uniform init for the 2-layer edge MLP, biases zero (matches init_emb)
    s1 = float(np.sqrt(6.0 / (2 * EMB_DIM + MLP_DIM)))
    W1 = jax.random.uniform(ks[4], (2 * EMB_DIM, MLP_DIM), minval=-s1, maxval=s1, dtype=jnp.float32)
    b1 = jnp.zeros((MLP_DIM,), dtype=jnp.float32)
    s2 = float(np.sqrt(6.0 / (MLP_DIM + 1)))
    W2 = jax.random.uniform(ks[5], (MLP_DIM, 1), minval=-s2, maxval=s2, dtype=jnp.float32)
    b2 = jnp.zeros((1,), dtype=jnp.float32)
    return {"user_emb": user_emb, "item_emb": item_emb, "edge_index": edge_index,
            "edge_values": edge_values, "W1": W1, "b1": b1, "W2": W2, "b2": b2}


def reference(user_emb, item_emb, edge_index, edge_values, W1, b1, W2, b2):
    node_emb = jnp.concatenate([user_emb, item_emb], axis=0)
    len_edges = edge_index.shape[1]
    half = len_edges // 2
    src = edge_index[0, :half]
    dst = edge_index[1, :half]
    emb_src = jnp.take(node_emb, src, axis=0)
    emb_dst = jnp.take(node_emb, dst, axis=0)
    edge_emb = jnp.concatenate([emb_src, emb_dst], axis=1)
    h = jax.nn.relu(edge_emb @ W1 + b1)
    edge_logits = h @ W2 + b2  # [half, 1]
    bias = 0.0 + 0.0001
    eps_key = jax.random.key(42)
    eps = (bias - (1.0 - bias)) * jax.random.uniform(eps_key, edge_logits.shape, dtype=jnp.float32) + (1.0 - bias)
    gate_inputs = jnp.log(eps) - jnp.log(1.0 - eps)
    gate_inputs = (gate_inputs + edge_logits) / B_TEMP
    aug_edge_weight = jax.nn.sigmoid(gate_inputs).squeeze(-1)  # [half]
    mean_edge_weight = jnp.sum(aug_edge_weight) / half
    new_vals = edge_values[:half] * aug_edge_weight
    # n_adj = coo(src,dst,new_vals); n_adj += n_adj.T  -> symmetric COO representation
    sym_vals = jnp.concatenate([new_vals, new_vals])
    sym_rows = jnp.concatenate([src, dst])
    sym_cols = jnp.concatenate([dst, src])
    return sym_vals, sym_rows, sym_cols, mean_edge_weight

if __name__ == "__main__":
    import jax
    _d = setup_inputs()
    print(jax.jit(kernel)(*tuple(_d.values())))

</pallas_src>

<mosaic_0001>
#map = affine_map<(d0, d1) -> (0, 0)>
#map1 = affine_map<(d0, d1) -> (0)>
module attributes {stable_mosaic.version = 14 : i64} {
  func.func @_edge(%arg0: i32, %arg1: i32, %arg2: memref<10000x64xf32, #tpu.memory_space<hbm>>, %arg3: memref<10000x64xf32, #tpu.memory_space<hbm>>, %arg4: memref<163840xi32, #tpu.memory_space<hbm>>, %arg5: memref<163840xi32, #tpu.memory_space<hbm>>, %arg6: memref<163840xf32, #tpu.memory_space<hbm>>, %arg7: memref<163840xf32, #tpu.memory_space<hbm>>, %arg8: memref<64x16xf32, #tpu.memory_space<hbm>>, %arg9: memref<16xf32, #tpu.memory_space<hbm>>, %arg10: memref<163840xf32, #tpu.memory_space<hbm>>, %arg11: memref<32x16xf32, #tpu.memory_space<hbm>>, %arg12: memref<128xi32, #tpu.memory_space<vmem>>, %arg13: memref<128xi32, #tpu.memory_space<vmem>>, %arg14: memref<128x64xf32, #tpu.memory_space<vmem>>, %arg15: memref<128x64xf32, #tpu.memory_space<vmem>>, %arg16: memref<128xf32, #tpu.memory_space<vmem>>, %arg17: memref<128xf32, #tpu.memory_space<vmem>>, %arg18: memref<128xf32, #tpu.memory_space<vmem>>, %arg19: memref<64x16xf32, #tpu.memory_space<vmem>>, %arg20: memref<16xf32, #tpu.memory_space<vmem>>, %arg21: memref<16xf32, #tpu.memory_space<vmem>>, %arg22: memref<!tpu.dma_semaphore, #tpu.memory_space<semaphore_mem>>, %arg23: memref<!tpu.dma_semaphore, #tpu.memory_space<semaphore_mem>>) attributes {dimension_semantics = [#tpu.dimension_semantics<core_parallel>, #tpu.dimension_semantics<subcore_parallel>], iteration_bounds = array<i64: 2, 16>, scalar_prefetch = 0 : i64, scratch_operands = 12 : i64, tpu.core_type = #tpu.core_type<sc_vector_subcore>, window_params = [{transform_indices = #map}, {transform_indices = #map}, {transform_indices = #map1}, {transform_indices = #map1}, {transform_indices = #map1}, {transform_indices = #map1}, {transform_indices = #map}, {transform_indices = #map1}, {transform_indices = #map1}, {transform_indices = #map}]} {
    %mul3A = arith.constant 2 : i32
    %mul3A_0 = arith.muli %arg1, %mul3A : i32
    %add3A = arith.addi %mul3A_0, %arg0 : i32
    %mul3A_1 = arith.constant 5120 : i32
    %mul3A_2 = arith.muli %add3A, %mul3A_1 : i32
    "tpu.region"() ({
      %run_scoped3A = tpu.sem_alloc : memref<!tpu.dma_semaphore, #tpu.memory_space<semaphore_mem>>
      tpu.enqueue_dma source(%arg8 : memref<64x16xf32, #tpu.memory_space<hbm>>) target(%arg19 : memref<64x16xf32, #tpu.memory_space<vmem>>) target_semaphore(%run_scoped3A : memref<!tpu.dma_semaphore, #tpu.memory_space<semaphore_mem>>)
      tpu.wait_dma2 semaphore(%run_scoped3A : memref<!tpu.dma_semaphore, #tpu.memory_space<semaphore_mem>>) src(%arg8 : memref<64x16xf32, #tpu.memory_space<hbm>>) dst(%arg19 : memref<64x16xf32, #tpu.memory_space<vmem>>)
      tpu.yield
    }) : () -> ()
    "tpu.region"() ({
      %run_scoped3A = tpu.sem_alloc : memref<!tpu.dma_semaphore, #tpu.memory_space<semaphore_mem>>
      tpu.enqueue_dma source(%arg9 : memref<16xf32, #tpu.memory_space<hbm>>) target(%arg20 : memref<16xf32, #tpu.memory_space<vmem>>) target_semaphore(%run_scoped3A : memref<!tpu.dma_semaphore, #tpu.memory_space<semaphore_mem>>)
      tpu.wait_dma2 semaphore(%run_scoped3A : memref<!tpu.dma_semaphore, #tpu.memory_space<semaphore_mem>>) src(%arg9 : memref<16xf32, #tpu.memory_space<hbm>>) dst(%arg20 : memref<16xf32, #tpu.memory_space<vmem>>)
      tpu.yield
    }) : () -> ()
    %get3A = arith.constant 0 : index
    %get3A_3 = tpu.vector_load %arg20[%get3A] {strides = array<i32>} : memref<16xf32, #tpu.memory_space<vmem>>, vector<16xf32>,
    %broadcast_in_dim3A = arith.constant 0.000000e+00 : f32
    %broadcast_in_dim3A_4 = vector.broadcast %broadcast_in_dim3A : f32 to vector<16xf32>
    %swap3A = arith.constant 0 : index
    %swap3A_5 = tpu.vector_load %arg21[%swap3A] {strides = array<i32>} : memref<16xf32, #tpu.memory_space<vmem>>, vector<16xf32>,
    tpu.vector_store %arg21[%swap3A], %broadcast_in_dim3A_4 {strides = array<i32>} : memref<16xf32, #tpu.memory_space<vmem>>, vector<16xf32>,
    %scan3A = arith.constant 0 : i32
    %scan3A_6 = arith.constant 0 : i32
    %scan3A_7 = arith.constant 40 : i32
    %scan3A_8 = arith.addi %scan3A_6, %scan3A_7 : i32
    %scan3A_9 = arith.constant 1 : i32
    scf.for %scan3A_11 = %scan3A_6 to %scan3A_8 step %scan3A_9  : i32 {
      %mul3A_12 = arith.constant 128 : i32
      %mul3A_13 = arith.muli %scan3A_11, %mul3A_12 : i32
      %add3A_14 = arith.addi %mul3A_2, %mul3A_13 : i32
      "tpu.region"() ({
        %run_scoped3A = tpu.sem_alloc : memref<!tpu.dma_semaphore, #tpu.memory_space<semaphore_mem>>
        %dma_start3A_31 = tpu.memref_slice %arg4[%add3A_14] : memref<163840xi32, #tpu.memory_space<hbm>> -> memref<128xi32, #tpu.memory_space<hbm>>
        %dma_start3A_32 = tpu.memref_slice %arg4[%add3A_14] : memref<163840xi32, #tpu.memory_space<hbm>> -> memref<128xi32, #tpu.memory_space<hbm>>
        tpu.enqueue_dma source(%dma_start3A_32 : memref<128xi32, #tpu.memory_space<hbm>>) target(%arg12 : memref<128xi32, #tpu.memory_space<vmem>>) target_semaphore(%run_scoped3A : memref<!tpu.dma_semaphore, #tpu.memory_space<semaphore_mem>>)
        %dma_wait3A_33 = tpu.memref_slice %arg4[%add3A_14] : memref<163840xi32, #tpu.memory_space<hbm>> -> memref<128xi32, #tpu.memory_space<hbm>>
        %dma_wait3A_34 = tpu.memref_slice %arg4[%add3A_14] : memref<163840xi32, #tpu.memory_space<hbm>> -> memref<128xi32, #tpu.memory_space<hbm>>
        tpu.wait_dma2 semaphore(%run_scoped3A : memref<!tpu.dma_semaphore, #tpu.memory_space<semaphore_mem>>) src(%dma_wait3A_34 : memref<128xi32, #tpu.memory_space<hbm>>) dst(%arg12 : memref<128xi32, #tpu.memory_space<vmem>>)
        tpu.yield
      }) : () -> ()
      "tpu.region"() ({
        %run_scoped3A = tpu.sem_alloc : memref<!tpu.dma_semaphore, #tpu.memory_space<semaphore_mem>>
        %dma_start3A_31 = tpu.memref_slice %arg5[%add3A_14] : memref<163840xi32, #tpu.memory_space<hbm>> -> memref<128xi32, #tpu.memory_space<hbm>>
        %dma_start3A_32 = tpu.memref_slice %arg5[%add3A_14] : memref<163840xi32, #tpu.memory_space<hbm>> -> memref<128xi32, #tpu.memory_space<hbm>>
        tpu.enqueue_dma source(%dma_start3A_32 : memref<128xi32, #tpu.memory_space<hbm>>) target(%arg13 : memref<128xi32, #tpu.memory_space<vmem>>) target_semaphore(%run_scoped3A : memref<!tpu.dma_semaphore, #tpu.memory_space<semaphore_mem>>)
        %dma_wait3A_33 = tpu.memref_slice %arg5[%add3A_14] : memref<163840xi32, #tpu.memory_space<hbm>> -> memref<128xi32, #tpu.memory_space<hbm>>
        %dma_wait3A_34 = tpu.memref_slice %arg5[%add3A_14] : memref<163840xi32, #tpu.memory_space<hbm>> -> memref<128xi32, #tpu.memory_space<hbm>>
        tpu.wait_dma2 semaphore(%run_scoped3A : memref<!tpu.dma_semaphore, #tpu.memory_space<semaphore_mem>>) src(%dma_wait3A_34 : memref<128xi32, #tpu.memory_space<hbm>>) dst(%arg13 : memref<128xi32, #tpu.memory_space<vmem>>)
        tpu.yield
      }) : () -> ()
      "tpu.region"() ({
        %run_scoped3A = tpu.sem_alloc : memref<!tpu.dma_semaphore, #tpu.memory_space<semaphore_mem>>
        %dma_start3A_31 = tpu.memref_slice %arg6[%add3A_14] : memref<163840xf32, #tpu.memory_space<hbm>> -> memref<128xf32, #tpu.memory_space<hbm>>
        %dma_start3A_32 = tpu.memref_slice %arg6[%add3A_14] : memref<163840xf32, #tpu.memory_space<hbm>> -> memref<128xf32, #tpu.memory_space<hbm>>
        tpu.enqueue_dma source(%dma_start3A_32 : memref<128xf32, #tpu.memory_space<hbm>>) target(%arg16 : memref<128xf32, #tpu.memory_space<vmem>>) target_semaphore(%run_scoped3A : memref<!tpu.dma_semaphore, #tpu.memory_space<semaphore_mem>>)
        %dma_wait3A_33 = tpu.memref_slice %arg6[%add3A_14] : memref<163840xf32, #tpu.memory_space<hbm>> -> memref<128xf32, #tpu.memory_space<hbm>>
        %dma_wait3A_34 = tpu.memref_slice %arg6[%add3A_14] : memref<163840xf32, #tpu.memory_space<hbm>> -> memref<128xf32, #tpu.memory_space<hbm>>
        tpu.wait_dma2 semaphore(%run_scoped3A : memref<!tpu.dma_semaphore, #tpu.memory_space<semaphore_mem>>) src(%dma_wait3A_34 : memref<128xf32, #tpu.memory_space<hbm>>) dst(%arg16 : memref<128xf32, #tpu.memory_space<vmem>>)
        tpu.yield
      }) : () -> ()
      "tpu.region"() ({
        %run_scoped3A = tpu.sem_alloc : memref<!tpu.dma_semaphore, #tpu.memory_space<semaphore_mem>>
        %dma_start3A_31 = tpu.memref_slice %arg7[%add3A_14] : memref<163840xf32, #tpu.memory_space<hbm>> -> memref<128xf32, #tpu.memory_space<hbm>>
        %dma_start3A_32 = tpu.memref_slice %arg7[%add3A_14] : memref<163840xf32, #tpu.memory_space<hbm>> -> memref<128xf32, #tpu.memory_space<hbm>>
        tpu.enqueue_dma source(%dma_start3A_32 : memref<128xf32, #tpu.memory_space<hbm>>) target(%arg17 : memref<128xf32, #tpu.memory_space<vmem>>) target_semaphore(%run_scoped3A : memref<!tpu.dma_semaphore, #tpu.memory_space<semaphore_mem>>)
        %dma_wait3A_33 = tpu.memref_slice %arg7[%add3A_14] : memref<163840xf32, #tpu.memory_space<hbm>> -> memref<128xf32, #tpu.memory_space<hbm>>
        %dma_wait3A_34 = tpu.memref_slice %arg7[%add3A_14] : memref<163840xf32, #tpu.memory_space<hbm>> -> memref<128xf32, #tpu.memory_space<hbm>>
        tpu.wait_dma2 semaphore(%run_scoped3A : memref<!tpu.dma_semaphore, #tpu.memory_space<semaphore_mem>>) src(%dma_wait3A_34 : memref<128xf32, #tpu.memory_space<hbm>>) dst(%arg17 : memref<128xf32, #tpu.memory_space<vmem>>)
        tpu.yield
      }) : () -> ()
      %dma_start3A = arith.constant 0 : i32
      %dma_start3A_15 = arith.constant 0 : i32
      %dma_start3A_16 = tpu.memref_slice %arg2[%dma_start3A, %dma_start3A_15] : memref<10000x64xf32, #tpu.memory_space<hbm>> -> memref<10000x64xf32, #tpu.memory_space<hbm>>
      tpu.enqueue_indirect_dma source(%dma_start3A_16 : memref<10000x64xf32, #tpu.memory_space<hbm>>) target(%arg14 : memref<128x64xf32, #tpu.memory_space<vmem>>) offsets(%arg12 : memref<128xi32, #tpu.memory_space<vmem>>) semaphore(%arg22 : memref<!tpu.dma_semaphore, #tpu.memory_space<semaphore_mem>>)
      %dma_start3A_17 = arith.constant 0 : i32
      %dma_start3A_18 = arith.constant 0 : i32
      %dma_start3A_19 = tpu.memref_slice %arg3[%dma_start3A_17, %dma_start3A_18] : memref<10000x64xf32, #tpu.memory_space<hbm>> -> memref<10000x64xf32, #tpu.memory_space<hbm>>
      tpu.enqueue_indirect_dma source(%dma_start3A_19 : memref<10000x64xf32, #tpu.memory_space<hbm>>) target(%arg15 : memref<128x64xf32, #tpu.memory_space<vmem>>) offsets(%arg13 : memref<128xi32, #tpu.memory_space<vmem>>) semaphore(%arg23 : memref<!tpu.dma_semaphore, #tpu.memory_space<semaphore_mem>>)
      %dma_wait3A = arith.constant 0 : i32
      %dma_wait3A_20 = arith.constant 0 : i32
      %dma_wait3A_21 = tpu.memref_slice %arg2[%dma_wait3A, %dma_wait3A_20] : memref<10000x64xf32, #tpu.memory_space<hbm>> -> memref<10000x64xf32, #tpu.memory_space<hbm>>
      tpu.wait_indirect_dma semaphore(%arg22 : memref<!tpu.dma_semaphore, #tpu.memory_space<semaphore_mem>>) src(%dma_wait3A_21 : memref<10000x64xf32, #tpu.memory_space<hbm>>) dst(%arg14 : memref<128x64xf32, #tpu.memory_space<vmem>>)
      %dma_wait3A_22 = arith.constant 0 : i32
      %dma_wait3A_23 = arith.constant 0 : i32
      %dma_wait3A_24 = tpu.memref_slice %arg3[%dma_wait3A_22, %dma_wait3A_23] : memref<10000x64xf32, #tpu.memory_space<hbm>> -> memref<10000x64xf32, #tpu.memory_space<hbm>>
      tpu.wait_indirect_dma semaphore(%arg23 : memref<!tpu.dma_semaphore, #tpu.memory_space<semaphore_mem>>) src(%dma_wait3A_24 : memref<10000x64xf32, #tpu.memory_space<hbm>>) dst(%arg15 : memref<128x64xf32, #tpu.memory_space<vmem>>)
      %scan3A_25 = arith.constant 0 : i32
      %scan3A_26 = arith.constant 0 : i32
      %scan3A_27 = arith.constant 8 : i32
      %scan3A_28 = arith.addi %scan3A_26, %scan3A_27 : i32
      %scan3A_29 = arith.constant 1 : i32
      scf.for %scan3A_31 = %scan3A_26 to %scan3A_28 step %scan3A_29  : i32 {
        %iota3A = tpu.iota {dimensions = array<i32: 0>} : vector<16xi32>
        %mul3A_32 = arith.constant 16 : i32
        %mul3A_33 = arith.muli %mul3A_32, %scan3A_31 : i32
        %add3A_34 = vector.broadcast %mul3A_33 : i32 to vector<16xi32>
        %add3A_35 = arith.addi %iota3A, %add3A_34 : vector<16xi32>
        %broadcast_in_dim3A_36 = arith.constant 0.000000e+00 : f32
        %broadcast_in_dim3A_37 = vector.broadcast %broadcast_in_dim3A_36 : f32 to vector<16xf32>
        %broadcast_in_dim3A_38 = arith.constant 0.000000e+00 : f32
        %broadcast_in_dim3A_39 = vector.broadcast %broadcast_in_dim3A_38 : f32 to vector<16xf32>
        %broadcast_in_dim3A_40 = arith.constant 0.000000e+00 : f32
        %broadcast_in_dim3A_41 = vector.broadcast %broadcast_in_dim3A_40 : f32 to vector<16xf32>
        %broadcast_in_dim3A_42 = arith.constant 0.000000e+00 : f32
        %broadcast_in_dim3A_43 = vector.broadcast %broadcast_in_dim3A_42 : f32 to vector<16xf32>
        %broadcast_in_dim3A_44 = arith.constant 0 : i32
        %broadcast_in_dim3A_45 = vector.broadcast %broadcast_in_dim3A_44 : i32 to vector<16xi32>
        %gather3A = tpu.vector_load_idx %arg14[%add3A_35, %broadcast_in_dim3A_45] : memref<128x64xf32, #tpu.memory_space<vmem>>[vector<16xi32>, vector<16xi32>], vector<16xf32>,
        %gather3A_46 = tpu.vector_load_idx %arg15[%add3A_35, %broadcast_in_dim3A_45] : memref<128x64xf32, #tpu.memory_space<vmem>>[vector<16xi32>, vector<16xi32>], vector<16xf32>,
        %add3A_47 = arith.addf %gather3A, %gather3A_46 : vector<16xf32>
        %max3A = arith.constant 0.000000e+00 : f32
        %max3A_48 = vector.broadcast %max3A : f32 to vector<16xf32>
        %max3A_49 = arith.maximumf %add3A_47, %max3A_48 : vector<16xf32>
        %get3A_50 = arith.constant 0 : i32
        %get3A_51 = arith.index_cast %get3A_50 : i32 to index
        %get3A_52 = arith.constant 0 : index
        %get3A_53 = tpu.vector_load %arg19[%get3A_51, %get3A_52] {strides = array<i32>} : memref<64x16xf32, #tpu.memory_space<vmem>>, vector<16xf32>,
        %mul3A_54 = arith.mulf %max3A_49, %get3A_53 : vector<16xf32>
        %add3A_55 = arith.addf %broadcast_in_dim3A_37, %mul3A_54 : vector<16xf32>
        %broadcast_in_dim3A_56 = arith.constant 1 : i32
        %broadcast_in_dim3A_57 = vector.broadcast %broadcast_in_dim3A_56 : i32 to vector<16xi32>
        %gather3A_58 = tpu.vector_load_idx %arg14[%add3A_35, %broadcast_in_dim3A_57] : memref<128x64xf32, #tpu.memory_space<vmem>>[vector<16xi32>, vector<16xi32>], vector<16xf32>,
        %gather3A_59 = tpu.vector_load_idx %arg15[%add3A_35, %broadcast_in_dim3A_57] : memref<128x64xf32, #tpu.memory_space<vmem>>[vector<16xi32>, vector<16xi32>], vector<16xf32>,
        %add3A_60 = arith.addf %gather3A_58, %gather3A_59 : vector<16xf32>
        %max3A_61 = arith.constant 0.000000e+00 : f32
        %max3A_62 = vector.broadcast %max3A_61 : f32 to vector<16xf32>
        %max3A_63 = arith.maximumf %add3A_60, %max3A_62 : vector<16xf32>
        %get3A_64 = arith.constant 1 : i32
        %get3A_65 = arith.index_cast %get3A_64 : i32 to index
        %get3A_66 = arith.constant 0 : index
        %get3A_67 = tpu.vector_load %arg19[%get3A_65, %get3A_66] {strides = array<i32>} : memref<64x16xf32, #tpu.memory_space<vmem>>, vector<16xf32>,
        %mul3A_68 = arith.mulf %max3A_63, %get3A_67 : vector<16xf32>
        %add3A_69 = arith.addf %broadcast_in_dim3A_39, %mul3A_68 : vector<16xf32>
        %broadcast_in_dim3A_70 = arith.constant 2 : i32
        %broadcast_in_dim3A_71 = vector.broadcast %broadcast_in_dim3A_70 : i32 to vector<16xi32>
        %gather3A_72 = tpu.vector_load_idx %arg14[%add3A_35, %broadcast_in_dim3A_71] : memref<128x64xf32, #tpu.memory_space<vmem>>[vector<16xi32>, vector<16xi32>], vector<16xf32>,
        %gather3A_73 = tpu.vector_load_idx %arg15[%add3A_35, %broadcast_in_dim3A_71] : memref<128x64xf32, #tpu.memory_space<vmem>>[vector<16xi32>, vector<16xi32>], vector<16xf32>,
        %add3A_74 = arith.addf %gather3A_72, %gather3A_73 : vector<16xf32>
        %max3A_75 = arith.constant 0.000000e+00 : f32
        %max3A_76 = vector.broadcast %max3A_75 : f32 to vector<16xf32>
        %max3A_77 = arith.maximumf %add3A_74, %max3A_76 : vector<16xf32>
        %get3A_78 = arith.constant 2 : i32
        %get3A_79 = arith.index_cast %get3A_78 : i32 to index
        %get3A_80 = arith.constant 0 : index
        %get3A_81 = tpu.vector_load %arg19[%get3A_79, %get3A_80] {strides = array<i32>} : memref<64x16xf32, #tpu.memory_space<vmem>>, vector<16xf32>,
        %mul3A_82 = arith.mulf %max3A_77, %get3A_81 : vector<16xf32>
        %add3A_83 = arith.addf %broadcast_in_dim3A_41, %mul3A_82 : vector<16xf32>
        %broadcast_in_dim3A_84 = arith.constant 3 : i32
        %broadcast_in_dim3A_85 = vector.broadcast %broadcast_in_dim3A_84 : i32 to vector<16xi32>
        %gather3A_86 = tpu.vector_load_idx %arg14[%add3A_35, %broadcast_in_dim3A_85] : memref<128x64xf32, #tpu.memory_space<vmem>>[vector<16xi32>, vector<16xi32>], vector<16xf32>,
        %gather3A_87 = tpu.vector_load_idx %arg15[%add3A_35, %broadcast_in_dim3A_85] : memref<128x64xf32, #tpu.memory_space<vmem>>[vector<16xi32>, vector<16xi32>], vector<16xf32>,
        %add3A_88 = arith.addf %gather3A_86, %gather3A_87 : vector<16xf32>
        %max3A_89 = arith.constant 0.000000e+00 : f32
        %max3A_90 = vector.broadcast %max3A_89 : f32 to vector<16xf32>
        %max3A_91 = arith.maximumf %add3A_88, %max3A_90 : vector<16xf32>
        %get3A_92 = arith.constant 3 : i32
        %get3A_93 = arith.index_cast %get3A_92 : i32 to index
        %get3A_94 = arith.constant 0 : index
        %get3A_95 = tpu.vector_load %arg19[%get3A_93, %get3A_94] {strides = array<i32>} : memref<64x16xf32, #tpu.memory_space<vmem>>, vector<16xf32>,
        %mul3A_96 = arith.mulf %max3A_91, %get3A_95 : vector<16xf32>
        %add3A_97 = arith.addf %broadcast_in_dim3A_43, %mul3A_96 : vector<16xf32>
        %broadcast_in_dim3A_98 = arith.constant 4 : i32
        %broadcast_in_dim3A_99 = vector.broadcast %broadcast_in_dim3A_98 : i32 to vector<16xi32>
        %gather3A_100 = tpu.vector_load_idx %arg14[%add3A_35, %broadcast_in_dim3A_99] : memref<128x64xf32, #tpu.memory_space<vmem>>[vector<16xi32>, vector<16xi32>], vector<16xf32>,
        %gather3A_101 = tpu.vector_load_idx %arg15[%add3A_35, %broadcast_in_dim3A_99] : memref<128x64xf32, #tpu.memory_space<vmem>>[vector<16xi32>, vector<16xi32>], vector<16xf32>,
        %add3A_102 = arith.addf %gather3A_100, %gather3A_101 : vector<16xf32>
        %max3A_103 = arith.constant 0.000000e+00 : f32
        %max3A_104 = vector.broadcast %max3A_103 : f32 to vector<16xf32>
        %max3A_105 = arith.maximumf %add3A_102, %max3A_104 : vector<16xf32>
        %get3A_106 = arith.constant 4 : i32
        %get3A_107 = arith.index_cast %get3A_106 : i32 to index
        %get3A_108 = arith.constant 0 : index
        %get3A_109 = tpu.vector_load %arg19[%get3A_107, %get3A_108] {strides = array<i32>} : memref<64x16xf32, #tpu.memory_space<vmem>>, vector<16xf32>,
        %mul3A_110 = arith.mulf %max3A_105, %get3A_109 : vector<16xf32>
        %add3A_111 = arith.addf %add3A_55, %mul3A_110 : vector<16xf32>
        %broadcast_in_dim3A_112 = arith.constant 5 : i32
        %broadcast_in_dim3A_113 = vector.broadcast %broadcast_in_dim3A_112 : i32 to vector<16xi32>
        %gather3A_114 = tpu.vector_load_idx %arg14[%add3A_35, %broadcast_in_dim3A_113] : memref<128x64xf32, #tpu.memory_space<vmem>>[vector<16xi32>, vector<16xi32>], vector<16xf32>,
        %gather3A_115 = tpu.vector_load_idx %arg15[%add3A_35, %broadcast_in_dim3A_113] : memref<128x64xf32, #tpu.memory_space<vmem>>[vector<16xi32>, vector<16xi32>], vector<16xf32>,
        %add3A_116 = arith.addf %gather3A_114, %gather3A_115 : vector<16xf32>
        %max3A_117 = arith.constant 0.000000e+00 : f32
        %max3A_118 = vector.broadcast %max3A_117 : f32 to vector<16xf32>
        %max3A_119 = arith.maximumf %add3A_116, %max3A_118 : vector<16xf32>
        %get3A_120 = arith.constant 5 : i32
        %get3A_121 = arith.index_cast %get3A_120 : i32 to index
        %get3A_122 = arith.constant 0 : index
        %get3A_123 = tpu.vector_load %arg19[%get3A_121, %get3A_122] {strides = array<i32>} : memref<64x16xf32, #tpu.memory_space<vmem>>, vector<16xf32>,
        %mul3A_124 = arith.mulf %max3A_119, %get3A_123 : vector<16xf32>
        %add3A_125 = arith.addf %add3A_69, %mul3A_124 : vector<16xf32>
        %broadcast_in_dim3A_126 = arith.constant 6 : i32
        %broadcast_in_dim3A_127 = vector.broadcast %broadcast_in_dim3A_126 : i32 to vector<16xi32>
        %gather3A_128 = tpu.vector_load_idx %arg14[%add3A_35, %broadcast_in_dim3A_127] : memref<128x64xf32, #tpu.memory_space<vmem>>[vector<16xi32>, vector<16xi32>], vector<16xf32>,
        %gather3A_129 = tpu.vector_load_idx %arg15[%add3A_35, %broadcast_in_dim3A_127] : memref<128x64xf32, #tpu.memory_space<vmem>>[vector<16xi32>, vector<16xi32>], vector<16xf32>,
        %add3A_130 = arith.addf %gather3A_128, %gather3A_129 : vector<16xf32>
        %max3A_131 = arith.constant 0.000000e+00 : f32
        %max3A_132 = vector.broadcast %max3A_131 : f32 to vector<16xf32>
        %max3A_133 = arith.maximumf %add3A_130, %max3A_132 : vector<16xf32>
        %get3A_134 = arith.constant 6 : i32
        %get3A_135 = arith.index_cast %get3A_134 : i32 to index
        %get3A_136 = arith.constant 0 : index
        %get3A_137 = tpu.vector_load %arg19[%get3A_135, %get3A_136] {strides = array<i32>} : memref<64x16xf32, #tpu.memory_space<vmem>>, vector<16xf32>,
        %mul3A_138 = arith.mulf %max3A_133, %get3A_137 : vector<16xf32>
        %add3A_139 = arith.addf %add3A_83, %mul3A_138 : vector<16xf32>
        %broadcast_in_dim3A_140 = arith.constant 7 : i32
        %broadcast_in_dim3A_141 = vector.broadcast %broadcast_in_dim3A_140 : i32 to vector<16xi32>
        %gather3A_142 = tpu.vector_load_idx %arg14[%add3A_35, %broadcast_in_dim3A_141] : memref<128x64xf32, #tpu.memory_space<vmem>>[vector<16xi32>, vector<16xi32>], vector<16xf32>,
        %gather3A_143 = tpu.vector_load_idx %arg15[%add3A_35, %broadcast_in_dim3A_141] : memref<128x64xf32, #tpu.memory_space<vmem>>[vector<16xi32>, vector<16xi32>], vector<16xf32>,
        %add3A_144 = arith.addf %gather3A_142, %gather3A_143 : vector<16xf32>
        %max3A_145 = arith.constant 0.000000e+00 : f32
        %max3A_146 = vector.broadcast %max3A_145 : f32 to vector<16xf32>
        %max3A_147 = arith.maximumf %add3A_144, %max3A_146 : vector<16xf32>
        %get3A_148 = arith.constant 7 : i32
        %get3A_149 = arith.index_cast %get3A_148 : i32 to index
        %get3A_150 = arith.constant 0 : index
        %get3A_151 = tpu.vector_load %arg19[%get3A_149, %get3A_150] {strides = array<i32>} : memref<64x16xf32, #tpu.memory_space<vmem>>, vector<16xf32>,
        %mul3A_152 = arith.mulf %max3A_147, %get3A_151 : vector<16xf32>
        %add3A_153 = arith.addf %add3A_97, %mul3A_152 : vector<16xf32>
        %broadcast_in_dim3A_154 = arith.constant 8 : i32
        %broadcast_in_dim3A_155 = vector.broadcast %broadcast_in_dim3A_154 : i32 to vector<16xi32>
        %gather3A_156 = tpu.vector_load_idx %arg14[%add3A_35, %broadcast_in_dim3A_155] : memref<128x64xf32, #tpu.memory_space<vmem>>[vector<16xi32>, vector<16xi32>], vector<16xf32>,
        %gather3A_157 = tpu.vector_load_idx %arg15[%add3A_35, %broadcast_in_dim3A_155] : memref<128x64xf32, #tpu.memory_space<vmem>>[vector<16xi32>, vector<16xi32>], vector<16xf32>,
        %add3A_158 = arith.addf %gather3A_156, %gather3A_157 : vector<16xf32>
        %max3A_159 = arith.constant 0.000000e+00 : f32
        %max3A_160 = vector.broadcast %max3A_159 : f32 to vector<16xf32>
        %max3A_161 = arith.maximumf %add3A_158, %max3A_160 : vector<16xf32>
        %get3A_162 = arith.constant 8 : i32
        %get3A_163 = arith.index_cast %get3A_162 : i32 to index
        %get3A_164 = arith.constant 0 : index
        %get3A_165 = tpu.vector_load %arg19[%get3A_163, %get3A_164] {strides = array<i32>} : memref<64x16xf32, #tpu.memory_space<vmem>>, vector<16xf32>,
        %mul3A_166 = arith.mulf %max3A_161, %get3A_165 : vector<16xf32>
        %add3A_167 = arith.addf %add3A_111, %mul3A_166 : vector<16xf32>
        %broadcast_in_dim3A_168 = arith.constant 9 : i32
        %broadcast_in_dim3A_169 = vector.broadcast %broadcast_in_dim3A_168 : i32 to vector<16xi32>
        %gather3A_170 = tpu.vector_load_idx %arg14[%add3A_35, %broadcast_in_dim3A_169] : memref<128x64xf32, #tpu.memory_space<vmem>>[vector<16xi32>, vector<16xi32>], vector<16xf32>,
        %gather3A_171 = tpu.vector_load_idx %arg15[%add3A_35, %broadcast_in_dim3A_169] : memref<128x64xf32, #tpu.memory_space<vmem>>[vector<16xi32>, vector<16xi32>], vector<16xf32>,
        %add3A_172 = arith.addf %gather3A_170, %gather3A_171 : vector<16xf32>
        %max3A_173 = arith.constant 0.000000e+00 : f32
        %max3A_174 = vector.broadcast %max3A_173 : f32 to vector<16xf32>
        %max3A_175 = arith.maximumf %add3A_172, %max3A_174 : vector<16xf32>
        %get3A_176 = arith.constant 9 : i32
        %get3A_177 = arith.index_cast %get3A_176 : i32 to index
        %get3A_178 = arith.constant 0 : index
        %get3A_179 = tpu.vector_load %arg19[%get3A_177, %get3A_178] {strides = array<i32>} : memref<64x16xf32, #tpu.memory_space<vmem>>, vector<16xf32>,
        %mul3A_180 = arith.mulf %max3A_175, %get3A_179 : vector<16xf32>
        %add3A_181 = arith.addf %add3A_125, %mul3A_180 : vector<16xf32>
        %broadcast_in_dim3A_182 = arith.constant 10 : i32
        %broadcast_in_dim3A_183 = vector.broadcast %broadcast_in_dim3A_182 : i32 to vector<16xi32>
        %gather3A_184 = tpu.vector_load_idx %arg14[%add3A_35, %broadcast_in_dim3A_183] : memref<128x64xf32, #tpu.memory_space<vmem>>[vector<16xi32>, vector<16xi32>], vector<16xf32>,
        %gather3A_185 = tpu.vector_load_idx %arg15[%add3A_35, %broadcast_in_dim3A_183] : memref<128x64xf32, #tpu.memory_space<vmem>>[vector<16xi32>, vector<16xi32>], vector<16xf32>,
        %add3A_186 = arith.addf %gather3A_184, %gather3A_185 : vector<16xf32>
        %max3A_187 = arith.constant 0.000000e+00 : f32
        %max3A_188 = vector.broadcast %max3A_187 : f32 to vector<16xf32>
        %max3A_189 = arith.maximumf %add3A_186, %max3A_188 : vector<16xf32>
        %get3A_190 = arith.constant 10 : i32
        %get3A_191 = arith.index_cast %get3A_190 : i32 to index
        %get3A_192 = arith.constant 0 : index
        %get3A_193 = tpu.vector_load %arg19[%get3A_191, %get3A_192] {strides = array<i32>} : memref<64x16xf32, #tpu.memory_space<vmem>>, vector<16xf32>,
        %mul3A_194 = arith.mulf %max3A_189, %get3A_193 : vector<16xf32>
        %add3A_195 = arith.addf %add3A_139, %mul3A_194 : vector<16xf32>
        %broadcast_in_dim3A_196 = arith.constant 11 : i32
        %broadcast_in_dim3A_197 = vector.broadcast %broadcast_in_dim3A_196 : i32 to vector<16xi32>
        %gather3A_198 = tpu.vector_load_idx %arg14[%add3A_35, %broadcast_in_dim3A_197] : memref<128x64xf32, #tpu.memory_space<vmem>>[vector<16xi32>, vector<16xi32>], vector<16xf32>,
        %gather3A_199 = tpu.vector_load_idx %arg15[%add3A_35, %broadcast_in_dim3A_197] : memref<128x64xf32, #tpu.memory_space<vmem>>[vector<16xi32>, vector<16xi32>], vector<16xf32>,
        %add3A_200 = arith.addf %gather3A_198, %gather3A_199 : vector<16xf32>
        %max3A_201 = arith.constant 0.000000e+00 : f32
        %max3A_202 = vector.broadcast %max3A_201 : f32 to vector<16xf32>
        %max3A_203 = arith.maximumf %add3A_200, %max3A_202 : vector<16xf32>
        %get3A_204 = arith.constant 11 : i32
        %get3A_205 = arith.index_cast %get3A_204 : i32 to index
        %get3A_206 = arith.constant 0 : index
        %get3A_207 = tpu.vector_load %arg19[%get3A_205, %get3A_206] {strides = array<i32>} : memref<64x16xf32, #tpu.memory_space<vmem>>, vector<16xf32>,
        %mul3A_208 = arith.mulf %max3A_203, %get3A_207 : vector<16xf32>
        %add3A_209 = arith.addf %add3A_153, %mul3A_208 : vector<16xf32>
        %broadcast_in_dim3A_210 = arith.constant 12 : i32
        %broadcast_in_dim3A_211 = vector.broadcast %broadcast_in_dim3A_210 : i32 to vector<16xi32>
        %gather3A_212 = tpu.vector_load_idx %arg14[%add3A_35, %broadcast_in_dim3A_211] : memref<128x64xf32, #tpu.memory_space<vmem>>[vector<16xi32>, vector<16xi32>], vector<16xf32>,
        %gather3A_213 = tpu.vector_load_idx %arg15[%add3A_35, %broadcast_in_dim3A_211] : memref<128x64xf32, #tpu.memory_space<vmem>>[vector<16xi32>, vector<16xi32>], vector<16xf32>,
        %add3A_214 = arith.addf %gather3A_212, %gather3A_213 : vector<16xf32>
        %max3A_215 = arith.constant 0.000000e+00 : f32
        %max3A_216 = vector.broadcast %max3A_215 : f32 to vector<16xf32>
        %max3A_217 = arith.maximumf %add3A_214, %max3A_216 : vector<16xf32>
        %get3A_218 = arith.constant 12 : i32
        %get3A_219 = arith.index_cast %get3A_218 : i32 to index
        %get3A_220 = arith.constant 0 : index
        %get3A_221 = tpu.vector_load %arg19[%get3A_219, %get3A_220] {strides = array<i32>} : memref<64x16xf32, #tpu.memory_space<vmem>>, vector<16xf32>,
        %mul3A_222 = arith.mulf %max3A_217, %get3A_221 : vector<16xf32>
        %add3A_223 = arith.addf %add3A_167, %mul3A_222 : vector<16xf32>
        %broadcast_in_dim3A_224 = arith.constant 13 : i32
        %broadcast_in_dim3A_225 = vector.broadcast %broadcast_in_dim3A_224 : i32 to vector<16xi32>
        %gather3A_226 = tpu.vector_load_idx %arg14[%add3A_35, %broadcast_in_dim3A_225] : memref<128x64xf32, #tpu.memory_space<vmem>>[vector<16xi32>, vector<16xi32>], vector<16xf32>,
        %gather3A_227 = tpu.vector_load_idx %arg15[%add3A_35, %broadcast_in_dim3A_225] : memref<128x64xf32, #tpu.memory_space<vmem>>[vector<16xi32>, vector<16xi32>], vector<16xf32>,
        %add3A_228 = arith.addf %gather3A_226, %gather3A_227 : vector<16xf32>
        %max3A_229 = arith.constant 0.000000e+00 : f32
        %max3A_230 = vector.broadcast %max3A_229 : f32 to vector<16xf32>
        %max3A_231 = arith.maximumf %add3A_228, %max3A_230 : vector<16xf32>
        %get3A_232 = arith.constant 13 : i32
        %get3A_233 = arith.index_cast %get3A_232 : i32 to index
        %get3A_234 = arith.constant 0 : index
        %get3A_235 = tpu.vector_load %arg19[%get3A_233, %get3A_234] {strides = array<i32>} : memref<64x16xf32, #tpu.memory_space<vmem>>, vector<16xf32>,
        %mul3A_236 = arith.mulf %max3A_231, %get3A_235 : vector<16xf32>
        %add3A_237 = arith.addf %add3A_181, %mul3A_236 : vector<16xf32>
        %broadcast_in_dim3A_238 = arith.constant 14 : i32
        %broadcast_in_dim3A_239 = vector.broadcast %broadcast_in_dim3A_238 : i32 to vector<16xi32>
        %gather3A_240 = tpu.vector_load_idx %arg14[%add3A_35, %broadcast_in_dim3A_239] : memref<128x64xf32, #tpu.memory_space<vmem>>[vector<16xi32>, vector<16xi32>], vector<16xf32>,
        %gather3A_241 = tpu.vector_load_idx %arg15[%add3A_35, %broadcast_in_dim3A_239] : memref<128x64xf32, #tpu.memory_space<vmem>>[vector<16xi32>, vector<16xi32>], vector<16xf32>,
        %add3A_242 = arith.addf %gather3A_240, %gather3A_241 : vector<16xf32>
        %max3A_243 = arith.constant 0.000000e+00 : f32
        %max3A_244 = vector.broadcast %max3A_243 : f32 to vector<16xf32>
        %max3A_245 = arith.maximumf %add3A_242, %max3A_244 : vector<16xf32>
        %get3A_246 = arith.constant 14 : i32
        %get3A_247 = arith.index_cast %get3A_246 : i32 to index
        %get3A_248 = arith.constant 0 : index
        %get3A_249 = tpu.vector_load %arg19[%get3A_247, %get3A_248] {strides = array<i32>} : memref<64x16xf32, #tpu.memory_space<vmem>>, vector<16xf32>,
        %mul3A_250 = arith.mulf %max3A_245, %get3A_249 : vector<16xf32>
        %add3A_251 = arith.addf %add3A_195, %mul3A_250 : vector<16xf32>
        %broadcast_in_dim3A_252 = arith.constant 15 : i32
        %broadcast_in_dim3A_253 = vector.broadcast %broadcast_in_dim3A_252 : i32 to vector<16xi32>
        %gather3A_254 = tpu.vector_load_idx %arg14[%add3A_35, %broadcast_in_dim3A_253] : memref<128x64xf32, #tpu.memory_space<vmem>>[vector<16xi32>, vector<16xi32>], vector<16xf32>,
        %gather3A_255 = tpu.vector_load_idx %arg15[%add3A_35, %broadcast_in_dim3A_253] : memref<128x64xf32, #tpu.memory_space<vmem>>[vector<16xi32>, vector<16xi32>], vector<16xf32>,
        %add3A_256 = arith.addf %gather3A_254, %gather3A_255 : vector<16xf32>
        %max3A_257 = arith.constant 0.000000e+00 : f32
        %max3A_258 = vector.broadcast %max3A_257 : f32 to vector<16xf32>
        %max3A_259 = arith.maximumf %add3A_256, %max3A_258 : vector<16xf32>
        %get3A_260 = arith.constant 15 : i32
        %get3A_261 = arith.index_cast %get3A_260 : i32 to index
        %get3A_262 = arith.constant 0 : index
        %get3A_263 = tpu.vector_load %arg19[%get3A_261, %get3A_262] {strides = array<i32>} : memref<64x16xf32, #tpu.memory_space<vmem>>, vector<16xf32>,
        %mul3A_264 = arith.mulf %max3A_259, %get3A_263 : vector<16xf32>
        %add3A_265 = arith.addf %add3A_209, %mul3A_264 : vector<16xf32>
        %broadcast_in_dim3A_266 = arith.constant 16 : i32
        %broadcast_in_dim3A_267 = vector.broadcast %broadcast_in_dim3A_266 : i32 to vector<16xi32>
        %gather3A_268 = tpu.vector_load_idx %arg14[%add3A_35, %broadcast_in_dim3A_267] : memref<128x64xf32, #tpu.memory_space<vmem>>[vector<16xi32>, vector<16xi32>], vector<16xf32>,
        %gather3A_269 = tpu.vector_load_idx %arg15[%add3A_35, %broadcast_in_dim3A_267] : memref<128x64xf32, #tpu.memory_space<vmem>>[vector<16xi32>, vector<16xi32>], vector<16xf32>,
        %add3A_270 = arith.addf %gather3A_268, %gather3A_269 : vector<16xf32>
        %max3A_271 = arith.constant 0.000000e+00 : f32
        %max3A_272 = vector.broadcast %max3A_271 : f32 to vector<16xf32>
        %max3A_273 = arith.maximumf %add3A_270, %max3A_272 : vector<16xf32>
        %get3A_274 = arith.constant 16 : i32
        %get3A_275 = arith.index_cast %get3A_274 : i32 to index
        %get3A_276 = arith.constant 0 : index
        %get3A_277 = tpu.vector_load %arg19[%get3A_275, %get3A_276] {strides = array<i32>} : memref<64x16xf32, #tpu.memory_space<vmem>>, vector<16xf32>,
        %mul3A_278 = arith.mulf %max3A_273, %get3A_277 : vector<16xf32>
        %add3A_279 = arith.addf %add3A_223, %mul3A_278 : vector<16xf32>
        %broadcast_in_dim3A_280 = arith.constant 17 : i32
        %broadcast_in_dim3A_281 = vector.broadcast %broadcast_in_dim3A_280 : i32 to vector<16xi32>
        %gather3A_282 = tpu.vector_load_idx %arg14[%add3A_35, %broadcast_in_dim3A_281] : memref<128x64xf32, #tpu.memory_space<vmem>>[vector<16xi32>, vector<16xi32>], vector<16xf32>,
        %gather3A_283 = tpu.vector_load_idx %arg15[%add3A_35, %broadcast_in_dim3A_281] : memref<128x64xf32, #tpu.memory_space<vmem>>[vector<16xi32>, vector<16xi32>], vector<16xf32>,
        %add3A_284 = arith.addf %gather3A_282, %gather3A_283 : vector<16xf32>
        %max3A_285 = arith.constant 0.000000e+00 : f32
        %max3A_286 = vector.broadcast %max3A_285 : f32 to vector<16xf32>
        %max3A_287 = arith.maximumf %add3A_284, %max3A_286 : vector<16xf32>
        %get3A_288 = arith.constant 17 : i32
        %get3A_289 = arith.index_cast %get3A_288 : i32 to index
        %get3A_290 = arith.constant 0 : index
        %get3A_291 = tpu.vector_load %arg19[%get3A_289, %get3A_290] {strides = array<i32>} : memref<64x16xf32, #tpu.memory_space<vmem>>, vector<16xf32>,
        %mul3A_292 = arith.mulf %max3A_287, %get3A_291 : vector<16xf32>
        %add3A_293 = arith.addf %add3A_237, %mul3A_292 : vector<16xf32>
        %broadcast_in_dim3A_294 = arith.constant 18 : i32
        %broadcast_in_dim3A_295 = vector.broadcast %broadcast_in_dim3A_294 : i32 to vector<16xi32>
        %gather3A_296 = tpu.vector_load_idx %arg14[%add3A_35, %broadcast_in_dim3A_295] : memref<128x64xf32, #tpu.memory_space<vmem>>[vector<16xi32>, vector<16xi32>], vector<16xf32>,
        %gather3A_297 = tpu.vector_load_idx %arg15[%add3A_35, %broadcast_in_dim3A_295] : memref<128x64xf32, #tpu.memory_space<vmem>>[vector<16xi32>, vector<16xi32>], vector<16xf32>,
        %add3A_298 = arith.addf %gather3A_296, %gather3A_297 : vector<16xf32>
        %max3A_299 = arith.constant 0.000000e+00 : f32
        %max3A_300 = vector.broadcast %max3A_299 : f32 to vector<16xf32>
        %max3A_301 = arith.maximumf %add3A_298, %max3A_300 : vector<16xf32>
        %get3A_302 = arith.constant 18 : i32
        %get3A_303 = arith.index_cast %get3A_302 : i32 to index
        %get3A_304 = arith.constant 0 : index
        %get3A_305 = tpu.vector_load %arg19[%get3A_303, %get3A_304] {strides = array<i32>} : memref<64x16xf32, #tpu.memory_space<vmem>>, vector<16xf32>,
        %mul3A_306 = arith.mulf %max3A_301, %get3A_305 : vector<16xf32>
        %add3A_307 = arith.addf %add3A_251, %mul3A_306 : vector<16xf32>
        %broadcast_in_dim3A_308 = arith.constant 19 : i32
        %broadcast_in_dim3A_309 = vector.broadcast %broadcast_in_dim3A_308 : i32 to vector<16xi32>
        %gather3A_310 = tpu.vector_load_idx %arg14[%add3A_35, %broadcast_in_dim3A_309] : memref<128x64xf32, #tpu.memory_space<vmem>>[vector<16xi32>, vector<16xi32>], vector<16xf32>,
        %gather3A_311 = tpu.vector_load_idx %arg15[%add3A_35, %broadcast_in_dim3A_309] : memref<128x64xf32, #tpu.memory_space<vmem>>[vector<16xi32>, vector<16xi32>], vector<16xf32>,
        %add3A_312 = arith.addf %gather3A_310, %gather3A_311 : vector<16xf32>
        %max3A_313 = arith.constant 0.000000e+00 : f32
        %max3A_314 = vector.broadcast %max3A_313 : f32 to vector<16xf32>
        %max3A_315 = arith.maximumf %add3A_312, %max3A_314 : vector<16xf32>
        %get3A_316 = arith.constant 19 : i32
        %get3A_317 = arith.index_cast %get3A_316 : i32 to index
        %get3A_318 = arith.constant 0 : index
        %get3A_319 = tpu.vector_load %arg19[%get3A_317, %get3A_318] {strides = array<i32>} : memref<64x16xf32, #tpu.memory_space<vmem>>, vector<16xf32>,
        %mul3A_320 = arith.mulf %max3A_315, %get3A_319 : vector<16xf32>
        %add3A_321 = arith.addf %add3A_265, %mul3A_320 : vector<16xf32>
        %broadcast_in_dim3A_322 = arith.constant 20 : i32
        %broadcast_in_dim3A_323 = vector.broadcast %broadcast_in_dim3A_322 : i32 to vector<16xi32>
        %gather3A_324 = tpu.vector_load_idx %arg14[%add3A_35, %broadcast_in_dim3A_323] : memref<128x64xf32, #tpu.memory_space<vmem>>[vector<16xi32>, vector<16xi32>], vector<16xf32>,
        %gather3A_325 = tpu.vector_load_idx %arg15[%add3A_35, %broadcast_in_dim3A_323] : memref<128x64xf32, #tpu.memory_space<vmem>>[vector<16xi32>, vector<16xi32>], vector<16xf32>,
        %add3A_326 = arith.addf %gather3A_324, %gather3A_325 : vector<16xf32>
        %max3A_327 = arith.constant 0.000000e+00 : f32
        %max3A_328 = vector.broadcast %max3A_327 : f32 to vector<16xf32>
        %max3A_329 = arith.maximumf %add3A_326, %max3A_328 : vector<16xf32>
        %get3A_330 = arith.constant 20 : i32
        %get3A_331 = arith.index_cast %get3A_330 : i32 to index
        %get3A_332 = arith.constant 0 : index
        %get3A_333 = tpu.vector_load %arg19[%get3A_331, %get3A_332] {strides = array<i32>} : memref<64x16xf32, #tpu.memory_space<vmem>>, vector<16xf32>,
        %mul3A_334 = arith.mulf %max3A_329, %get3A_333 : vector<16xf32>
        %add3A_335 = arith.addf %add3A_279, %mul3A_334 : vector<16xf32>
        %broadcast_in_dim3A_336 = arith.constant 21 : i32
        %broadcast_in_dim3A_337 = vector.broadcast %broadcast_in_dim3A_336 : i32 to vector<16xi32>
        %gather3A_338 = tpu.vector_load_idx %arg14[%add3A_35, %broadcast_in_dim3A_337] : memref<128x64xf32, #tpu.memory_space<vmem>>[vector<16xi32>, vector<16xi32>], vector<16xf32>,
        %gather3A_339 = tpu.vector_load_idx %arg15[%add3A_35, %broadcast_in_dim3A_337] : memref<128x64xf32, #tpu.memory_space<vmem>>[vector<16xi32>, vector<16xi32>], vector<16xf32>,
        %add3A_340 = arith.addf %gather3A_338, %gather3A_339 : vector<16xf32>
        %max3A_341 = arith.constant 0.000000e+00 : f32
        %max3A_342 = vector.broadcast %max3A_341 : f32 to vector<16xf32>
        %max3A_343 = arith.maximumf %add3A_340, %max3A_342 : vector<16xf32>
        %get3A_344 = arith.constant 21 : i32
        %get3A_345 = arith.index_cast %get3A_344 : i32 to index
        %get3A_346 = arith.constant 0 : index
        %get3A_347 = tpu.vector_load %arg19[%get3A_345, %get3A_346] {strides = array<i32>} : memref<64x16xf32, #tpu.memory_space<vmem>>, vector<16xf32>,
        %mul3A_348 = arith.mulf %max3A_343, %get3A_347 : vector<16xf32>
        %add3A_349 = arith.addf %add3A_293, %mul3A_348 : vector<16xf32>
        %broadcast_in_dim3A_350 = arith.constant 22 : i32
        %broadcast_in_dim3A_351 = vector.broadcast %broadcast_in_dim3A_350 : i32 to vector<16xi32>
        %gather3A_352 = tpu.vector_load_idx %arg14[%add3A_35, %broadcast_in_dim3A_351] : memref<128x64xf32, #tpu.memory_space<vmem>>[vector<16xi32>, vector<16xi32>], vector<16xf32>,
        %gather3A_353 = tpu.vector_load_idx %arg15[%add3A_35, %broadcast_in_dim3A_351] : memref<128x64xf32, #tpu.memory_space<vmem>>[vector<16xi32>, vector<16xi32>], vector<16xf32>,
        %add3A_354 = arith.addf %gather3A_352, %gather3A_353 : vector<16xf32>
        %max3A_355 = arith.constant 0.000000e+00 : f32
        %max3A_356 = vector.broadcast %max3A_355 : f32 to vector<16xf32>
        %max3A_357 = arith.maximumf %add3A_354, %max3A_356 : vector<16xf32>
        %get3A_358 = arith.constant 22 : i32
        %get3A_359 = arith.index_cast %get3A_358 : i32 to index
        %get3A_360 = arith.constant 0 : index
        %get3A_361 = tpu.vector_load %arg19[%get3A_359, %get3A_360] {strides = array<i32>} : memref<64x16xf32, #tpu.memory_space<vmem>>, vector<16xf32>,
        %mul3A_362 = arith.mulf %max3A_357, %get3A_361 : vector<16xf32>
        %add3A_363 = arith.addf %add3A_307, %mul3A_362 : vector<16xf32>
        %broadcast_in_dim3A_364 = arith.constant 23 : i32
        %broadcast_in_dim3A_365 = vector.broadcast %broadcast_in_dim3A_364 : i32 to vector<16xi32>
        %gather3A_366 = tpu.vector_load_idx %arg14[%add3A_35, %broadcast_in_dim3A_365] : memref<128x64xf32, #tpu.memory_space<vmem>>[vector<16xi32>, vector<16xi32>], vector<16xf32>,
        %gather3A_367 = tpu.vector_load_idx %arg15[%add3A_35, %broadcast_in_dim3A_365] : memref<128x64xf32, #tpu.memory_space<vmem>>[vector<16xi32>, vector<16xi32>], vector<16xf32>,
        %add3A_368 = arith.addf %gather3A_366, %gather3A_367 : vector<16xf32>
        %max3A_369 = arith.constant 0.000000e+00 : f32
        %max3A_370 = vector.broadcast %max3A_369 : f32 to vector<16xf32>
        %max3A_371 = arith.maximumf %add3A_368, %max3A_370 : vector<16xf32>
        %get3A_372 = arith.constant 23 : i32
        %get3A_373 = arith.index_cast %get3A_372 : i32 to index
        %get3A_374 = arith.constant 0 : index
        %get3A_375 = tpu.vector_load %arg19[%get3A_373, %get3A_374] {strides = array<i32>} : memref<64x16xf32, #tpu.memory_space<vmem>>, vector<16xf32>,
        %mul3A_376 = arith.mulf %max3A_371, %get3A_375 : vector<16xf32>
        %add3A_377 = arith.addf %add3A_321, %mul3A_376 : vector<16xf32>
        %broadcast_in_dim3A_378 = arith.constant 24 : i32
        %broadcast_in_dim3A_379 = vector.broadcast %broadcast_in_dim3A_378 : i32 to vector<16xi32>
        %gather3A_380 = tpu.vector_load_idx %arg14[%add3A_35, %broadcast_in_dim3A_379] : memref<128x64xf32, #tpu.memory_space<vmem>>[vector<16xi32>, vector<16xi32>], vector<16xf32>,
        %gather3A_381 = tpu.vector_load_idx %arg15[%add3A_35, %broadcast_in_dim3A_379] : memref<128x64xf32, #tpu.memory_space<vmem>>[vector<16xi32>, vector<16xi32>], vector<16xf32>,
        %add3A_382 = arith.addf %gather3A_380, %gather3A_381 : vector<16xf32>
        %max3A_383 = arith.constant 0.000000e+00 : f32
        %max3A_384 = vector.broadcast %max3A_383 : f32 to vector<16xf32>
        %max3A_385 = arith.maximumf %add3A_382, %max3A_384 : vector<16xf32>
        %get3A_386 = arith.constant 24 : i32
        %get3A_387 = arith.index_cast %get3A_386 : i32 to index
        %get3A_388 = arith.constant 0 : index
        %get3A_389 = tpu.vector_load %arg19[%get3A_387, %get3A_388] {strides = array<i32>} : memref<64x16xf32, #tpu.memory_space<vmem>>, vector<16xf32>,
        %mul3A_390 = arith.mulf %max3A_385, %get3A_389 : vector<16xf32>
        %add3A_391 = arith.addf %add3A_335, %mul3A_390 : vector<16xf32>
        %broadcast_in_dim3A_392 = arith.constant 25 : i32
        %broadcast_in_dim3A_393 = vector.broadcast %broadcast_in_dim3A_392 : i32 to vector<16xi32>
        %gather3A_394 = tpu.vector_load_idx %arg14[%add3A_35, %broadcast_in_dim3A_393] : memref<128x64xf32, #tpu.memory_space<vmem>>[vector<16xi32>, vector<16xi32>], vector<16xf32>,
        %gather3A_395 = tpu.vector_load_idx %arg15[%add3A_35, %broadcast_in_dim3A_393] : memref<128x64xf32, #tpu.memory_space<vmem>>[vector<16xi32>, vector<16xi32>], vector<16xf32>,
        %add3A_396 = arith.addf %gather3A_394, %gather3A_395 : vector<16xf32>
        %max3A_397 = arith.constant 0.000000e+00 : f32
        %max3A_398 = vector.broadcast %max3A_397 : f32 to vector<16xf32>
        %max3A_399 = arith.maximumf %add3A_396, %max3A_398 : vector<16xf32>
        %get3A_400 = arith.constant 25 : i32
        %get3A_401 = arith.index_cast %get3A_400 : i32 to index
        %get3A_402 = arith.constant 0 : index
        %get3A_403 = tpu.vector_load %arg19[%get3A_401, %get3A_402] {strides = array<i32>} : memref<64x16xf32, #tpu.memory_space<vmem>>, vector<16xf32>,
        %mul3A_404 = arith.mulf %max3A_399, %get3A_403 : vector<16xf32>
        %add3A_405 = arith.addf %add3A_349, %mul3A_404 : vector<16xf32>
        %broadcast_in_dim3A_406 = arith.constant 26 : i32
        %broadcast_in_dim3A_407 = vector.broadcast %broadcast_in_dim3A_406 : i32 to vector<16xi32>
        %gather3A_408 = tpu.vector_load_idx %arg14[%add3A_35, %broadcast_in_dim3A_407] : memref<128x64xf32, #tpu.memory_space<vmem>>[vector<16xi32>, vector<16xi32>], vector<16xf32>,
        %gather3A_409 = tpu.vector_load_idx %arg15[%add3A_35, %broadcast_in_dim3A_407] : memref<128x64xf32, #tpu.memory_space<vmem>>[vector<16xi32>, vector<16xi32>], vector<16xf32>,
        %add3A_410 = arith.addf %gather3A_408, %gather3A_409 : vector<16xf32>
        %max3A_411 = arith.constant 0.000000e+00 : f32
        %max3A_412 = vector.broadcast %max3A_411 : f32 to vector<16xf32>
        %max3A_413 = arith.maximumf %add3A_410, %max3A_412 : vector<16xf32>
        %get3A_414 = arith.constant 26 : i32
        %get3A_415 = arith.index_cast %get3A_414 : i32 to index
        %get3A_416 = arith.constant 0 : index
        %get3A_417 = tpu.vector_load %arg19[%get3A_415, %get3A_416] {strides = array<i32>} : memref<64x16xf32, #tpu.memory_space<vmem>>, vector<16xf32>,
        %mul3A_418 = arith.mulf %max3A_413, %get3A_417 : vector<16xf32>
        %add3A_419 = arith.addf %add3A_363, %mul3A_418 : vector<16xf32>
        %broadcast_in_dim3A_420 = arith.constant 27 : i32
        %broadcast_in_dim3A_421 = vector.broadcast %broadcast_in_dim3A_420 : i32 to vector<16xi32>
        %gather3A_422 = tpu.vector_load_idx %arg14[%add3A_35, %broadcast_in_dim3A_421] : memref<128x64xf32, #tpu.memory_space<vmem>>[vector<16xi32>, vector<16xi32>], vector<16xf32>,
        %gather3A_423 = tpu.vector_load_idx %arg15[%add3A_35, %broadcast_in_dim3A_421] : memref<128x64xf32, #tpu.memory_space<vmem>>[vector<16xi32>, vector<16xi32>], vector<16xf32>,
        %add3A_424 = arith.addf %gather3A_422, %gather3A_423 : vector<16xf32>
        %max3A_425 = arith.constant 0.000000e+00 : f32
        %max3A_426 = vector.broadcast %max3A_425 : f32 to vector<16xf32>
        %max3A_427 = arith.maximumf %add3A_424, %max3A_426 : vector<16xf32>
        %get3A_428 = arith.constant 27 : i32
        %get3A_429 = arith.index_cast %get3A_428 : i32 to index
        %get3A_430 = arith.constant 0 : index
        %get3A_431 = tpu.vector_load %arg19[%get3A_429, %get3A_430] {strides = array<i32>} : memref<64x16xf32, #tpu.memory_space<vmem>>, vector<16xf32>,
        %mul3A_432 = arith.mulf %max3A_427, %get3A_431 : vector<16xf32>
        %add3A_433 = arith.addf %add3A_377, %mul3A_432 : vector<16xf32>
        %broadcast_in_dim3A_434 = arith.constant 28 : i32
        %broadcast_in_dim3A_435 = vector.broadcast %broadcast_in_dim3A_434 : i32 to vector<16xi32>
        %gather3A_436 = tpu.vector_load_idx %arg14[%add3A_35, %broadcast_in_dim3A_435] : memref<128x64xf32, #tpu.memory_space<vmem>>[vector<16xi32>, vector<16xi32>], vector<16xf32>,
        %gather3A_437 = tpu.vector_load_idx %arg15[%add3A_35, %broadcast_in_dim3A_435] : memref<128x64xf32, #tpu.memory_space<vmem>>[vector<16xi32>, vector<16xi32>], vector<16xf32>,
        %add3A_438 = arith.addf %gather3A_436, %gather3A_437 : vector<16xf32>
        %max3A_439 = arith.constant 0.000000e+00 : f32
        %max3A_440 = vector.broadcast %max3A_439 : f32 to vector<16xf32>
        %max3A_441 = arith.maximumf %add3A_438, %max3A_440 : vector<16xf32>
        %get3A_442 = arith.constant 28 : i32
        %get3A_443 = arith.index_cast %get3A_442 : i32 to index
        %get3A_444 = arith.constant 0 : index
        %get3A_445 = tpu.vector_load %arg19[%get3A_443, %get3A_444] {strides = array<i32>} : memref<64x16xf32, #tpu.memory_space<vmem>>, vector<16xf32>,
        %mul3A_446 = arith.mulf %max3A_441, %get3A_445 : vector<16xf32>
        %add3A_447 = arith.addf %add3A_391, %mul3A_446 : vector<16xf32>
        %broadcast_in_dim3A_448 = arith.constant 29 : i32
        %broadcast_in_dim3A_449 = vector.broadcast %broadcast_in_dim3A_448 : i32 to vector<16xi32>
        %gather3A_450 = tpu.vector_load_idx %arg14[%add3A_35, %broadcast_in_dim3A_449] : memref<128x64xf32, #tpu.memory_space<vmem>>[vector<16xi32>, vector<16xi32>], vector<16xf32>,
        %gather3A_451 = tpu.vector_load_idx %arg15[%add3A_35, %broadcast_in_dim3A_449] : memref<128x64xf32, #tpu.memory_space<vmem>>[vector<16xi32>, vector<16xi32>], vector<16xf32>,
        %add3A_452 = arith.addf %gather3A_450, %gather3A_451 : vector<16xf32>
        %max3A_453 = arith.constant 0.000000e+00 : f32
        %max3A_454 = vector.broadcast %max3A_453 : f32 to vector<16xf32>
        %max3A_455 = arith.maximumf %add3A_452, %max3A_454 : vector<16xf32>
        %get3A_456 = arith.constant 29 : i32
        %get3A_457 = arith.index_cast %get3A_456 : i32 to index
        %get3A_458 = arith.constant 0 : index
        %get3A_459 = tpu.vector_load %arg19[%get3A_457, %get3A_458] {strides = array<i32>} : memref<64x16xf32, #tpu.memory_space<vmem>>, vector<16xf32>,
        %mul3A_460 = arith.mulf %max3A_455, %get3A_459 : vector<16xf32>
        %add3A_461 = arith.addf %add3A_405, %mul3A_460 : vector<16xf32>
        %broadcast_in_dim3A_462 = arith.constant 30 : i32
        %broadcast_in_dim3A_463 = vector.broadcast %broadcast_in_dim3A_462 : i32 to vector<16xi32>
        %gather3A_464 = tpu.vector_load_idx %arg14[%add3A_35, %broadcast_in_dim3A_463] : memref<128x64xf32, #tpu.memory_space<vmem>>[vector<16xi32>, vector<16xi32>], vector<16xf32>,
        %gather3A_465 = tpu.vector_load_idx %arg15[%add3A_35, %broadcast_in_dim3A_463] : memref<128x64xf32, #tpu.memory_space<vmem>>[vector<16xi32>, vector<16xi32>], vector<16xf32>,
        %add3A_466 = arith.addf %gather3A_464, %gather3A_465 : vector<16xf32>
        %max3A_467 = arith.constant 0.000000e+00 : f32
        %max3A_468 = vector.broadcast %max3A_467 : f32 to vector<16xf32>
        %max3A_469 = arith.maximumf %add3A_466, %max3A_468 : vector<16xf32>
        %get3A_470 = arith.constant 30 : i32
        %get3A_471 = arith.index_cast %get3A_470 : i32 to index
        %get3A_472 = arith.constant 0 : index
        %get3A_473 = tpu.vector_load %arg19[%get3A_471, %get3A_472] {strides = array<i32>} : memref<64x16xf32, #tpu.memory_space<vmem>>, vector<16xf32>,
        %mul3A_474 = arith.mulf %max3A_469, %get3A_473 : vector<16xf32>
        %add3A_475 = arith.addf %add3A_419, %mul3A_474 : vector<16xf32>
        %broadcast_in_dim3A_476 = arith.constant 31 : i32
        %broadcast_in_dim3A_477 = vector.broadcast %broadcast_in_dim3A_476 : i32 to vector<16xi32>
        %gather3A_478 = tpu.vector_load_idx %arg14[%add3A_35, %broadcast_in_dim3A_477] : memref<128x64xf32, #tpu.memory_space<vmem>>[vector<16xi32>, vector<16xi32>], vector<16xf32>,
        %gather3A_479 = tpu.vector_load_idx %arg15[%add3A_35, %broadcast_in_dim3A_477] : memref<128x64xf32, #tpu.memory_space<vmem>>[vector<16xi32>, vector<16xi32>], vector<16xf32>,
        %add3A_480 = arith.addf %gather3A_478, %gather3A_479 : vector<16xf32>
        %max3A_481 = arith.constant 0.000000e+00 : f32
        %max3A_482 = vector.broadcast %max3A_481 : f32 to vector<16xf32>
        %max3A_483 = arith.maximumf %add3A_480, %max3A_482 : vector<16xf32>
        %get3A_484 = arith.constant 31 : i32
        %get3A_485 = arith.index_cast %get3A_484 : i32 to index
        %get3A_486 = arith.constant 0 : index
        %get3A_487 = tpu.vector_load %arg19[%get3A_485, %get3A_486] {strides = array<i32>} : memref<64x16xf32, #tpu.memory_space<vmem>>, vector<16xf32>,
        %mul3A_488 = arith.mulf %max3A_483, %get3A_487 : vector<16xf32>
        %add3A_489 = arith.addf %add3A_433, %mul3A_488 : vector<16xf32>
        %broadcast_in_dim3A_490 = arith.constant 32 : i32
        %broadcast_in_dim3A_491 = vector.broadcast %broadcast_in_dim3A_490 : i32 to vector<16xi32>
        %gather3A_492 = tpu.vector_load_idx %arg14[%add3A_35, %broadcast_in_dim3A_491] : memref<128x64xf32, #tpu.memory_space<vmem>>[vector<16xi32>, vector<16xi32>], vector<16xf32>,
        %gather3A_493 = tpu.vector_load_idx %arg15[%add3A_35, %broadcast_in_dim3A_491] : memref<128x64xf32, #tpu.memory_space<vmem>>[vector<16xi32>, vector<16xi32>], vector<16xf32>,
        %add3A_494 = arith.addf %gather3A_492, %gather3A_493 : vector<16xf32>
        %max3A_495 = arith.constant 0.000000e+00 : f32
        %max3A_496 = vector.broadcast %max3A_495 : f32 to vector<16xf32>
        %max3A_497 = arith.maximumf %add3A_494, %max3A_496 : vector<16xf32>
        %get3A_498 = arith.constant 32 : i32
        %get3A_499 = arith.index_cast %get3A_498 : i32 to index
        %get3A_500 = arith.constant 0 : index
        %get3A_501 = tpu.vector_load %arg19[%get3A_499, %get3A_500] {strides = array<i32>} : memref<64x16xf32, #tpu.memory_space<vmem>>, vector<16xf32>,
        %mul3A_502 = arith.mulf %max3A_497, %get3A_501 : vector<16xf32>
        %add3A_503 = arith.addf %add3A_447, %mul3A_502 : vector<16xf32>
        %broadcast_in_dim3A_504 = arith.constant 33 : i32
        %broadcast_in_dim3A_505 = vector.broadcast %broadcast_in_dim3A_504 : i32 to vector<16xi32>
        %gather3A_506 = tpu.vector_load_idx %arg14[%add3A_35, %broadcast_in_dim3A_505] : memref<128x64xf32, #tpu.memory_space<vmem>>[vector<16xi32>, vector<16xi32>], vector<16xf32>,
        %gather3A_507 = tpu.vector_load_idx %arg15[%add3A_35, %broadcast_in_dim3A_505] : memref<128x64xf32, #tpu.memory_space<vmem>>[vector<16xi32>, vector<16xi32>], vector<16xf32>,
        %add3A_508 = arith.addf %gather3A_506, %gather3A_507 : vector<16xf32>
        %max3A_509 = arith.constant 0.000000e+00 : f32
        %max3A_510 = vector.broadcast %max3A_509 : f32 to vector<16xf32>
        %max3A_511 = arith.maximumf %add3A_508, %max3A_510 : vector<16xf32>
        %get3A_512 = arith.constant 33 : i32
        %get3A_513 = arith.index_cast %get3A_512 : i32 to index
        %get3A_514 = arith.constant 0 : index
        %get3A_515 = tpu.vector_load %arg19[%get3A_513, %get3A_514] {strides = array<i32>} : memref<64x16xf32, #tpu.memory_space<vmem>>, vector<16xf32>,
        %mul3A_516 = arith.mulf %max3A_511, %get3A_515 : vector<16xf32>
        %add3A_517 = arith.addf %add3A_461, %mul3A_516 : vector<16xf32>
        %broadcast_in_dim3A_518 = arith.constant 34 : i32
        %broadcast_in_dim3A_519 = vector.broadcast %broadcast_in_dim3A_518 : i32 to vector<16xi32>
        %gather3A_520 = tpu.vector_load_idx %arg14[%add3A_35, %broadcast_in_dim3A_519] : memref<128x64xf32, #tpu.memory_space<vmem>>[vector<16xi32>, vector<16xi32>], vector<16xf32>,
        %gather3A_521 = tpu.vector_load_idx %arg15[%add3A_35, %broadcast_in_dim3A_519] : memref<128x64xf32, #tpu.memory_space<vmem>>[vector<16xi32>, vector<16xi32>], vector<16xf32>,
        %add3A_522 = arith.addf %gather3A_520, %gather3A_521 : vector<16xf32>
        %max3A_523 = arith.constant 0.000000e+00 : f32
        %max3A_524 = vector.broadcast %max3A_523 : f32 to vector<16xf32>
        %max3A_525 = arith.maximumf %add3A_522, %max3A_524 : vector<16xf32>
        %get3A_526 = arith.constant 34 : i32
        %get3A_527 = arith.index_cast %get3A_526 : i32 to index
        %get3A_528 = arith.constant 0 : index
        %get3A_529 = tpu.vector_load %arg19[%get3A_527, %get3A_528] {strides = array<i32>} : memref<64x16xf32, #tpu.memory_space<vmem>>, vector<16xf32>,
        %mul3A_530 = arith.mulf %max3A_525, %get3A_529 : vector<16xf32>
        %add3A_531 = arith.addf %add3A_475, %mul3A_530 : vector<16xf32>
        %broadcast_in_dim3A_532 = arith.constant 35 : i32
        %broadcast_in_dim3A_533 = vector.broadcast %broadcast_in_dim3A_532 : i32 to vector<16xi32>
        %gather3A_534 = tpu.vector_load_idx %arg14[%add3A_35, %broadcast_in_dim3A_533] : memref<128x64xf32, #tpu.memory_space<vmem>>[vector<16xi32>, vector<16xi32>], vector<16xf32>,
        %gather3A_535 = tpu.vector_load_idx %arg15[%add3A_35, %broadcast_in_dim3A_533] : memref<128x64xf32, #tpu.memory_space<vmem>>[vector<16xi32>, vector<16xi32>], vector<16xf32>,
        %add3A_536 = arith.addf %gather3A_534, %gather3A_535 : vector<16xf32>
        %max3A_537 = arith.constant 0.000000e+00 : f32
        %max3A_538 = vector.broadcast %max3A_537 : f32 to vector<16xf32>
        %max3A_539 = arith.maximumf %add3A_536, %max3A_538 : vector<16xf32>
        %get3A_540 = arith.constant 35 : i32
        %get3A_541 = arith.index_cast %get3A_540 : i32 to index
        %get3A_542 = arith.constant 0 : index
        %get3A_543 = tpu.vector_load %arg19[%get3A_541, %get3A_542] {strides = array<i32>} : memref<64x16xf32, #tpu.memory_space<vmem>>, vector<16xf32>,
        %mul3A_544 = arith.mulf %max3A_539, %get3A_543 : vector<16xf32>
        %add3A_545 = arith.addf %add3A_489, %mul3A_544 : vector<16xf32>
        %broadcast_in_dim3A_546 = arith.constant 36 : i32
        %broadcast_in_dim3A_547 = vector.broadcast %broadcast_in_dim3A_546 : i32 to vector<16xi32>
        %gather3A_548 = tpu.vector_load_idx %arg14[%add3A_35, %broadcast_in_dim3A_547] : memref<128x64xf32, #tpu.memory_space<vmem>>[vector<16xi32>, vector<16xi32>], vector<16xf32>,
        %gather3A_549 = tpu.vector_load_idx %arg15[%add3A_35, %broadcast_in_dim3A_547] : memref<128x64xf32, #tpu.memory_space<vmem>>[vector<16xi32>, vector<16xi32>], vector<16xf32>,
        %add3A_550 = arith.addf %gather3A_548, %gather3A_549 : vector<16xf32>
        %max3A_551 = arith.constant 0.000000e+00 : f32
        %max3A_552 = vector.broadcast %max3A_551 : f32 to vector<16xf32>
        %max3A_553 = arith.maximumf %add3A_550, %max3A_552 : vector<16xf32>
        %get3A_554 = arith.constant 36 : i32
        %get3A_555 = arith.index_cast %get3A_554 : i32 to index
        %get3A_556 = arith.constant 0 : index
        %get3A_557 = tpu.vector_load %arg19[%get3A_555, %get3A_556] {strides = array<i32>} : memref<64x16xf32, #tpu.memory_space<vmem>>, vector<16xf32>,
        %mul3A_558 = arith.mulf %max3A_553, %get3A_557 : vector<16xf32>
        %add3A_559 = arith.addf %add3A_503, %mul3A_558 : vector<16xf32>
        %broadcast_in_dim3A_560 = arith.constant 37 : i32
        %broadcast_in_dim3A_561 = vector.broadcast %broadcast_in_dim3A_560 : i32 to vector<16xi32>
        %gather3A_562 = tpu.vector_load_idx %arg14[%add3A_35, %broadcast_in_dim3A_561] : memref<128x64xf32, #tpu.memory_space<vmem>>[vector<16xi32>, vector<16xi32>], vector<16xf32>,
        %gather3A_563 = tpu.vector_load_idx %arg15[%add3A_35, %broadcast_in_dim3A_561] : memref<128x64xf32, #tpu.memory_space<vmem>>[vector<16xi32>, vector<16xi32>], vector<16xf32>,
        %add3A_564 = arith.addf %gather3A_562, %gather3A_563 : vector<16xf32>
        %max3A_565 = arith.constant 0.000000e+00 : f32
        %max3A_566 = vector.broadcast %max3A_565 : f32 to vector<16xf32>
        %max3A_567 = arith.maximumf %add3A_564, %max3A_566 : vector<16xf32>
        %get3A_568 = arith.constant 37 : i32
        %get3A_569 = arith.index_cast %get3A_568 : i32 to index
        %get3A_570 = arith.constant 0 : index
        %get3A_571 = tpu.vector_load %arg19[%get3A_569, %get3A_570] {strides = array<i32>} : memref<64x16xf32, #tpu.memory_space<vmem>>, vector<16xf32>,
        %mul3A_572 = arith.mulf %max3A_567, %get3A_571 : vector<16xf32>
        %add3A_573 = arith.addf %add3A_517, %mul3A_572 : vector<16xf32>
        %broadcast_in_dim3A_574 = arith.constant 38 : i32
        %broadcast_in_dim3A_575 = vector.broadcast %broadcast_in_dim3A_574 : i32 to vector<16xi32>
        %gather3A_576 = tpu.vector_load_idx %arg14[%add3A_35, %broadcast_in_dim3A_575] : memref<128x64xf32, #tpu.memory_space<vmem>>[vector<16xi32>, vector<16xi32>], vector<16xf32>,
        %gather3A_577 = tpu.vector_load_idx %arg15[%add3A_35, %broadcast_in_dim3A_575] : memref<128x64xf32, #tpu.memory_space<vmem>>[vector<16xi32>, vector<16xi32>], vector<16xf32>,
        %add3A_578 = arith.addf %gather3A_576, %gather3A_577 : vector<16xf32>
        %max3A_579 = arith.constant 0.000000e+00 : f32
        %max3A_580 = vector.broadcast %max3A_579 : f32 to vector<16xf32>
        %max3A_581 = arith.maximumf %add3A_578, %max3A_580 : vector<16xf32>
        %get3A_582 = arith.constant 38 : i32
        %get3A_583 = arith.index_cast %get3A_582 : i32 to index
        %get3A_584 = arith.constant 0 : index
        %get3A_585 = tpu.vector_load %arg19[%get3A_583, %get3A_584] {strides = array<i32>} : memref<64x16xf32, #tpu.memory_space<vmem>>, vector<16xf32>,
        %mul3A_586 = arith.mulf %max3A_581, %get3A_585 : vector<16xf32>
        %add3A_587 = arith.addf %add3A_531, %mul3A_586 : vector<16xf32>
        %broadcast_in_dim3A_588 = arith.constant 39 : i32
        %broadcast_in_dim3A_589 = vector.broadcast %broadcast_in_dim3A_588 : i32 to vector<16xi32>
        %gather3A_590 = tpu.vector_load_idx %arg14[%add3A_35, %broadcast_in_dim3A_589] : memref<128x64xf32, #tpu.memory_space<vmem>>[vector<16xi32>, vector<16xi32>], vector<16xf32>,
        %gather3A_591 = tpu.vector_load_idx %arg15[%add3A_35, %broadcast_in_dim3A_589] : memref<128x64xf32, #tpu.memory_space<vmem>>[vector<16xi32>, vector<16xi32>], vector<16xf32>,
        %add3A_592 = arith.addf %gather3A_590, %gather3A_591 : vector<16xf32>
        %max3A_593 = arith.constant 0.000000e+00 : f32
        %max3A_594 = vector.broadcast %max3A_593 : f32 to vector<16xf32>
        %max3A_595 = arith.maximumf %add3A_592, %max3A_594 : vector<16xf32>
        %get3A_596 = arith.constant 39 : i32
        %get3A_597 = arith.index_cast %get3A_596 : i32 to index
        %get3A_598 = arith.constant 0 : index
        %get3A_599 = tpu.vector_load %arg19[%get3A_597, %get3A_598] {strides = array<i32>} : memref<64x16xf32, #tpu.memory_space<vmem>>, vector<16xf32>,
        %mul3A_600 = arith.mulf %max3A_595, %get3A_599 : vector<16xf32>
        %add3A_601 = arith.addf %add3A_545, %mul3A_600 : vector<16xf32>
        %broadcast_in_dim3A_602 = arith.constant 40 : i32
        %broadcast_in_dim3A_603 = vector.broadcast %broadcast_in_dim3A_602 : i32 to vector<16xi32>
        %gather3A_604 = tpu.vector_load_idx %arg14[%add3A_35, %broadcast_in_dim3A_603] : memref<128x64xf32, #tpu.memory_space<vmem>>[vector<16xi32>, vector<16xi32>], vector<16xf32>,
        %gather3A_605 = tpu.vector_load_idx %arg15[%add3A_35, %broadcast_in_dim3A_603] : memref<128x64xf32, #tpu.memory_space<vmem>>[vector<16xi32>, vector<16xi32>], vector<16xf32>,
        %add3A_606 = arith.addf %gather3A_604, %gather3A_605 : vector<16xf32>
        %max3A_607 = arith.constant 0.000000e+00 : f32
        %max3A_608 = vector.broadcast %max3A_607 : f32 to vector<16xf32>
        %max3A_609 = arith.maximumf %add3A_606, %max3A_608 : vector<16xf32>
        %get3A_610 = arith.constant 40 : i32
        %get3A_611 = arith.index_cast %get3A_610 : i32 to index
        %get3A_612 = arith.constant 0 : index
        %get3A_613 = tpu.vector_load %arg19[%get3A_611, %get3A_612] {strides = array<i32>} : memref<64x16xf32, #tpu.memory_space<vmem>>, vector<16xf32>,
        %mul3A_614 = arith.mulf %max3A_609, %get3A_613 : vector<16xf32>
        %add3A_615 = arith.addf %add3A_559, %mul3A_614 : vector<16xf32>
        %broadcast_in_dim3A_616 = arith.constant 41 : i32
        %broadcast_in_dim3A_617 = vector.broadcast %broadcast_in_dim3A_616 : i32 to vector<16xi32>
        %gather3A_618 = tpu.vector_load_idx %arg14[%add3A_35, %broadcast_in_dim3A_617] : memref<128x64xf32, #tpu.memory_space<vmem>>[vector<16xi32>, vector<16xi32>], vector<16xf32>,
        %gather3A_619 = tpu.vector_load_idx %arg15[%add3A_35, %broadcast_in_dim3A_617] : memref<128x64xf32, #tpu.memory_space<vmem>>[vector<16xi32>, vector<16xi32>], vector<16xf32>,
        %add3A_620 = arith.addf %gather3A_618, %gather3A_619 : vector<16xf32>
        %max3A_621 = arith.constant 0.000000e+00 : f32
        %max3A_622 = vector.broadcast %max3A_621 : f32 to vector<16xf32>
        %max3A_623 = arith.maximumf %add3A_620, %max3A_622 : vector<16xf32>
        %get3A_624 = arith.constant 41 : i32
        %get3A_625 = arith.index_cast %get3A_624 : i32 to index
        %get3A_626 = arith.constant 0 : index
        %get3A_627 = tpu.vector_load %arg19[%get3A_625, %get3A_626] {strides = array<i32>} : memref<64x16xf32, #tpu.memory_space<vmem>>, vector<16xf32>,
        %mul3A_628 = arith.mulf %max3A_623, %get3A_627 : vector<16xf32>
        %add3A_629 = arith.addf %add3A_573, %mul3A_628 : vector<16xf32>
        %broadcast_in_dim3A_630 = arith.constant 42 : i32
        %broadcast_in_dim3A_631 = vector.broadcast %broadcast_in_dim3A_630 : i32 to vector<16xi32>
        %gather3A_632 = tpu.vector_load_idx %arg14[%add3A_35, %broadcast_in_dim3A_631] : memref<128x64xf32, #tpu.memory_space<vmem>>[vector<16xi32>, vector<16xi32>], vector<16xf32>,
        %gather3A_633 = tpu.vector_load_idx %arg15[%add3A_35, %broadcast_in_dim3A_631] : memref<128x64xf32, #tpu.memory_space<vmem>>[vector<16xi32>, vector<16xi32>], vector<16xf32>,
        %add3A_634 = arith.addf %gather3A_632, %gather3A_633 : vector<16xf32>
        %max3A_635 = arith.constant 0.000000e+00 : f32
        %max3A_636 = vector.broadcast %max3A_635 : f32 to vector<16xf32>
        %max3A_637 = arith.maximumf %add3A_634, %max3A_636 : vector<16xf32>
        %get3A_638 = arith.constant 42 : i32
        %get3A_639 = arith.index_cast %get3A_638 : i32 to index
        %get3A_640 = arith.constant 0 : index
        %get3A_641 = tpu.vector_load %arg19[%get3A_639, %get3A_640] {strides = array<i32>} : memref<64x16xf32, #tpu.memory_space<vmem>>, vector<16xf32>,
        %mul3A_642 = arith.mulf %max3A_637, %get3A_641 : vector<16xf32>
        %add3A_643 = arith.addf %add3A_587, %mul3A_642 : vector<16xf32>
        %broadcast_in_dim3A_644 = arith.constant 43 : i32
        %broadcast_in_dim3A_645 = vector.broadcast %broadcast_in_dim3A_644 : i32 to vector<16xi32>
        %gather3A_646 = tpu.vector_load_idx %arg14[%add3A_35, %broadcast_in_dim3A_645] : memref<128x64xf32, #tpu.memory_space<vmem>>[vector<16xi32>, vector<16xi32>], vector<16xf32>,
        %gather3A_647 = tpu.vector_load_idx %arg15[%add3A_35, %broadcast_in_dim3A_645] : memref<128x64xf32, #tpu.memory_space<vmem>>[vector<16xi32>, vector<16xi32>], vector<16xf32>,
        %add3A_648 = arith.addf %gather3A_646, %gather3A_647 : vector<16xf32>
        %max3A_649 = arith.constant 0.000000e+00 : f32
        %max3A_650 = vector.broadcast %max3A_649 : f32 to vector<16xf32>
        %max3A_651 = arith.maximumf %add3A_648, %max3A_650 : vector<16xf32>
        %get3A_652 = arith.constant 43 : i32
        %get3A_653 = arith.index_cast %get3A_652 : i32 to index
        %get3A_654 = arith.constant 0 : index
        %get3A_655 = tpu.vector_load %arg19[%get3A_653, %get3A_654] {strides = array<i32>} : memref<64x16xf32, #tpu.memory_space<vmem>>, vector<16xf32>,
        %mul3A_656 = arith.mulf %max3A_651, %get3A_655 : vector<16xf32>
        %add3A_657 = arith.addf %add3A_601, %mul3A_656 : vector<16xf32>
        %broadcast_in_dim3A_658 = arith.constant 44 : i32
        %broadcast_in_dim3A_659 = vector.broadcast %broadcast_in_dim3A_658 : i32 to vector<16xi32>
        %gather3A_660 = tpu.vector_load_idx %arg14[%add3A_35, %broadcast_in_dim3A_659] : memref<128x64xf32, #tpu.memory_space<vmem>>[vector<16xi32>, vector<16xi32>], vector<16xf32>,
        %gather3A_661 = tpu.vector_load_idx %arg15[%add3A_35, %broadcast_in_dim3A_659] : memref<128x64xf32, #tpu.memory_space<vmem>>[vector<16xi32>, vector<16xi32>], vector<16xf32>,
        %add3A_662 = arith.addf %gather3A_660, %gather3A_661 : vector<16xf32>
        %max3A_663 = arith.constant 0.000000e+00 : f32
        %max3A_664 = vector.broadcast %max3A_663 : f32 to vector<16xf32>
        %max3A_665 = arith.maximumf %add3A_662, %max3A_664 : vector<16xf32>
        %get3A_666 = arith.constant 44 : i32
        %get3A_667 = arith.index_cast %get3A_666 : i32 to index
        %get3A_668 = arith.constant 0 : index
        %get3A_669 = tpu.vector_load %arg19[%get3A_667, %get3A_668] {strides = array<i32>} : memref<64x16xf32, #tpu.memory_space<vmem>>, vector<16xf32>,
        %mul3A_670 = arith.mulf %max3A_665, %get3A_669 : vector<16xf32>
        %add3A_671 = arith.addf %add3A_615, %mul3A_670 : vector<16xf32>
        %broadcast_in_dim3A_672 = arith.constant 45 : i32
        %broadcast_in_dim3A_673 = vector.broadcast %broadcast_in_dim3A_672 : i32 to vector<16xi32>
        %gather3A_674 = tpu.vector_load_idx %arg14[%add3A_35, %broadcast_in_dim3A_673] : memref<128x64xf32, #tpu.memory_space<vmem>>[vector<16xi32>, vector<16xi32>], vector<16xf32>,
        %gather3A_675 = tpu.vector_load_idx %arg15[%add3A_35, %broadcast_in_dim3A_673] : memref<128x64xf32, #tpu.memory_space<vmem>>[vector<16xi32>, vector<16xi32>], vector<16xf32>,
        %add3A_676 = arith.addf %gather3A_674, %gather3A_675 : vector<16xf32>
        %max3A_677 = arith.constant 0.000000e+00 : f32
        %max3A_678 = vector.broadcast %max3A_677 : f32 to vector<16xf32>
        %max3A_679 = arith.maximumf %add3A_676, %max3A_678 : vector<16xf32>
        %get3A_680 = arith.constant 45 : i32
        %get3A_681 = arith.index_cast %get3A_680 : i32 to index
        %get3A_682 = arith.constant 0 : index
        %get3A_683 = tpu.vector_load %arg19[%get3A_681, %get3A_682] {strides = array<i32>} : memref<64x16xf32, #tpu.memory_space<vmem>>, vector<16xf32>,
        %mul3A_684 = arith.mulf %max3A_679, %get3A_683 : vector<16xf32>
        %add3A_685 = arith.addf %add3A_629, %mul3A_684 : vector<16xf32>
        %broadcast_in_dim3A_686 = arith.constant 46 : i32
        %broadcast_in_dim3A_687 = vector.broadcast %broadcast_in_dim3A_686 : i32 to vector<16xi32>
        %gather3A_688 = tpu.vector_load_idx %arg14[%add3A_35, %broadcast_in_dim3A_687] : memref<128x64xf32, #tpu.memory_space<vmem>>[vector<16xi32>, vector<16xi32>], vector<16xf32>,
        %gather3A_689 = tpu.vector_load_idx %arg15[%add3A_35, %broadcast_in_dim3A_687] : memref<128x64xf32, #tpu.memory_space<vmem>>[vector<16xi32>, vector<16xi32>], vector<16xf32>,
        %add3A_690 = arith.addf %gather3A_688, %gather3A_689 : vector<16xf32>
        %max3A_691 = arith.constant 0.000000e+00 : f32
        %max3A_692 = vector.broadcast %max3A_691 : f32 to vector<16xf32>
        %max3A_693 = arith.maximumf %add3A_690, %max3A_692 : vector<16xf32>
        %get3A_694 = arith.constant 46 : i32
        %get3A_695 = arith.index_cast %get3A_694 : i32 to index
        %get3A_696 = arith.constant 0 : index
        %get3A_697 = tpu.vector_load %arg19[%get3A_695, %get3A_696] {strides = array<i32>} : memref<64x16xf32, #tpu.memory_space<vmem>>, vector<16xf32>,
        %mul3A_698 = arith.mulf %max3A_693, %get3A_697 : vector<16xf32>
        %add3A_699 = arith.addf %add3A_643, %mul3A_698 : vector<16xf32>
        %broadcast_in_dim3A_700 = arith.constant 47 : i32
        %broadcast_in_dim3A_701 = vector.broadcast %broadcast_in_dim3A_700 : i32 to vector<16xi32>
        %gather3A_702 = tpu.vector_load_idx %arg14[%add3A_35, %broadcast_in_dim3A_701] : memref<128x64xf32, #tpu.memory_space<vmem>>[vector<16xi32>, vector<16xi32>], vector<16xf32>,
        %gather3A_703 = tpu.vector_load_idx %arg15[%add3A_35, %broadcast_in_dim3A_701] : memref<128x64xf32, #tpu.memory_space<vmem>>[vector<16xi32>, vector<16xi32>], vector<16xf32>,
        %add3A_704 = arith.addf %gather3A_702, %gather3A_703 : vector<16xf32>
        %max3A_705 = arith.constant 0.000000e+00 : f32
        %max3A_706 = vector.broadcast %max3A_705 : f32 to vector<16xf32>
        %max3A_707 = arith.maximumf %add3A_704, %max3A_706 : vector<16xf32>
        %get3A_708 = arith.constant 47 : i32
        %get3A_709 = arith.index_cast %get3A_708 : i32 to index
        %get3A_710 = arith.constant 0 : index
        %get3A_711 = tpu.vector_load %arg19[%get3A_709, %get3A_710] {strides = array<i32>} : memref<64x16xf32, #tpu.memory_space<vmem>>, vector<16xf32>,
        %mul3A_712 = arith.mulf %max3A_707, %get3A_711 : vector<16xf32>
        %add3A_713 = arith.addf %add3A_657, %mul3A_712 : vector<16xf32>
        %broadcast_in_dim3A_714 = arith.constant 48 : i32
        %broadcast_in_dim3A_715 = vector.broadcast %broadcast_in_dim3A_714 : i32 to vector<16xi32>
        %gather3A_716 = tpu.vector_load_idx %arg14[%add3A_35, %broadcast_in_dim3A_715] : memref<128x64xf32, #tpu.memory_space<vmem>>[vector<16xi32>, vector<16xi32>], vector<16xf32>,
        %gather3A_717 = tpu.vector_load_idx %arg15[%add3A_35, %broadcast_in_dim3A_715] : memref<128x64xf32, #tpu.memory_space<vmem>>[vector<16xi32>, vector<16xi32>], vector<16xf32>,
        %add3A_718 = arith.addf %gather3A_716, %gather3A_717 : vector<16xf32>
        %max3A_719 = arith.constant 0.000000e+00 : f32
        %max3A_720 = vector.broadcast %max3A_719 : f32 to vector<16xf32>
        %max3A_721 = arith.maximumf %add3A_718, %max3A_720 : vector<16xf32>
        %get3A_722 = arith.constant 48 : i32
        %get3A_723 = arith.index_cast %get3A_722 : i32 to index
        %get3A_724 = arith.constant 0 : index
        %get3A_725 = tpu.vector_load %arg19[%get3A_723, %get3A_724] {strides = array<i32>} : memref<64x16xf32, #tpu.memory_space<vmem>>, vector<16xf32>,
        %mul3A_726 = arith.mulf %max3A_721, %get3A_725 : vector<16xf32>
        %add3A_727 = arith.addf %add3A_671, %mul3A_726 : vector<16xf32>
        %broadcast_in_dim3A_728 = arith.constant 49 : i32
        %broadcast_in_dim3A_729 = vector.broadcast %broadcast_in_dim3A_728 : i32 to vector<16xi32>
        %gather3A_730 = tpu.vector_load_idx %arg14[%add3A_35, %broadcast_in_dim3A_729] : memref<128x64xf32, #tpu.memory_space<vmem>>[vector<16xi32>, vector<16xi32>], vector<16xf32>,
        %gather3A_731 = tpu.vector_load_idx %arg15[%add3A_35, %broadcast_in_dim3A_729] : memref<128x64xf32, #tpu.memory_space<vmem>>[vector<16xi32>, vector<16xi32>], vector<16xf32>,
        %add3A_732 = arith.addf %gather3A_730, %gather3A_731 : vector<16xf32>
        %max3A_733 = arith.constant 0.000000e+00 : f32
        %max3A_734 = vector.broadcast %max3A_733 : f32 to vector<16xf32>
        %max3A_735 = arith.maximumf %add3A_732, %max3A_734 : vector<16xf32>
        %get3A_736 = arith.constant 49 : i32
        %get3A_737 = arith.index_cast %get3A_736 : i32 to index
        %get3A_738 = arith.constant 0 : index
        %get3A_739 = tpu.vector_load %arg19[%get3A_737, %get3A_738] {strides = array<i32>} : memref<64x16xf32, #tpu.memory_space<vmem>>, vector<16xf32>,
        %mul3A_740 = arith.mulf %max3A_735, %get3A_739 : vector<16xf32>
        %add3A_741 = arith.addf %add3A_685, %mul3A_740 : vector<16xf32>
        %broadcast_in_dim3A_742 = arith.constant 50 : i32
        %broadcast_in_dim3A_743 = vector.broadcast %broadcast_in_dim3A_742 : i32 to vector<16xi32>
        %gather3A_744 = tpu.vector_load_idx %arg14[%add3A_35, %broadcast_in_dim3A_743] : memref<128x64xf32, #tpu.memory_space<vmem>>[vector<16xi32>, vector<16xi32>], vector<16xf32>,
        %gather3A_745 = tpu.vector_load_idx %arg15[%add3A_35, %broadcast_in_dim3A_743] : memref<128x64xf32, #tpu.memory_space<vmem>>[vector<16xi32>, vector<16xi32>], vector<16xf32>,
        %add3A_746 = arith.addf %gather3A_744, %gather3A_745 : vector<16xf32>
        %max3A_747 = arith.constant 0.000000e+00 : f32
        %max3A_748 = vector.broadcast %max3A_747 : f32 to vector<16xf32>
        %max3A_749 = arith.maximumf %add3A_746, %max3A_748 : vector<16xf32>
        %get3A_750 = arith.constant 50 : i32
        %get3A_751 = arith.index_cast %get3A_750 : i32 to index
        %get3A_752 = arith.constant 0 : index
        %get3A_753 = tpu.vector_load %arg19[%get3A_751, %get3A_752] {strides = array<i32>} : memref<64x16xf32, #tpu.memory_space<vmem>>, vector<16xf32>,
        %mul3A_754 = arith.mulf %max3A_749, %get3A_753 : vector<16xf32>
        %add3A_755 = arith.addf %add3A_699, %mul3A_754 : vector<16xf32>
        %broadcast_in_dim3A_756 = arith.constant 51 : i32
        %broadcast_in_dim3A_757 = vector.broadcast %broadcast_in_dim3A_756 : i32 to vector<16xi32>
        %gather3A_758 = tpu.vector_load_idx %arg14[%add3A_35, %broadcast_in_dim3A_757] : memref<128x64xf32, #tpu.memory_space<vmem>>[vector<16xi32>, vector<16xi32>], vector<16xf32>,
        %gather3A_759 = tpu.vector_load_idx %arg15[%add3A_35, %broadcast_in_dim3A_757] : memref<128x64xf32, #tpu.memory_space<vmem>>[vector<16xi32>, vector<16xi32>], vector<16xf32>,
        %add3A_760 = arith.addf %gather3A_758, %gather3A_759 : vector<16xf32>
        %max3A_761 = arith.constant 0.000000e+00 : f32
        %max3A_762 = vector.broadcast %max3A_761 : f32 to vector<16xf32>
        %max3A_763 = arith.maximumf %add3A_760, %max3A_762 : vector<16xf32>
        %get3A_764 = arith.constant 51 : i32
        %get3A_765 = arith.index_cast %get3A_764 : i32 to index
        %get3A_766 = arith.constant 0 : index
        %get3A_767 = tpu.vector_load %arg19[%get3A_765, %get3A_766] {strides = array<i32>} : memref<64x16xf32, #tpu.memory_space<vmem>>, vector<16xf32>,
        %mul3A_768 = arith.mulf %max3A_763, %get3A_767 : vector<16xf32>
        %add3A_769 = arith.addf %add3A_713, %mul3A_768 : vector<16xf32>
        %broadcast_in_dim3A_770 = arith.constant 52 : i32
        %broadcast_in_dim3A_771 = vector.broadcast %broadcast_in_dim3A_770 : i32 to vector<16xi32>
        %gather3A_772 = tpu.vector_load_idx %arg14[%add3A_35, %broadcast_in_dim3A_771] : memref<128x64xf32, #tpu.memory_space<vmem>>[vector<16xi32>, vector<16xi32>], vector<16xf32>,
        %gather3A_773 = tpu.vector_load_idx %arg15[%add3A_35, %broadcast_in_dim3A_771] : memref<128x64xf32, #tpu.memory_space<vmem>>[vector<16xi32>, vector<16xi32>], vector<16xf32>,
        %add3A_774 = arith.addf %gather3A_772, %gather3A_773 : vector<16xf32>
        %max3A_775 = arith.constant 0.000000e+00 : f32
        %max3A_776 = vector.broadcast %max3A_775 : f32 to vector<16xf32>
        %max3A_777 = arith.maximumf %add3A_774, %max3A_776 : vector<16xf32>
        %get3A_778 = arith.constant 52 : i32
        %get3A_779 = arith.index_cast %get3A_778 : i32 to index
        %get3A_780 = arith.constant 0 : index
        %get3A_781 = tpu.vector_load %arg19[%get3A_779, %get3A_780] {strides = array<i32>} : memref<64x16xf32, #tpu.memory_space<vmem>>, vector<16xf32>,
        %mul3A_782 = arith.mulf %max3A_777, %get3A_781 : vector<16xf32>
        %add3A_783 = arith.addf %add3A_727, %mul3A_782 : vector<16xf32>
        %broadcast_in_dim3A_784 = arith.constant 53 : i32
        %broadcast_in_dim3A_785 = vector.broadcast %broadcast_in_dim3A_784 : i32 to vector<16xi32>
        %gather3A_786 = tpu.vector_load_idx %arg14[%add3A_35, %broadcast_in_dim3A_785] : memref<128x64xf32, #tpu.memory_space<vmem>>[vector<16xi32>, vector<16xi32>], vector<16xf32>,
        %gather3A_787 = tpu.vector_load_idx %arg15[%add3A_35, %broadcast_in_dim3A_785] : memref<128x64xf32, #tpu.memory_space<vmem>>[vector<16xi32>, vector<16xi32>], vector<16xf32>,
        %add3A_788 = arith.addf %gather3A_786, %gather3A_787 : vector<16xf32>
        %max3A_789 = arith.constant 0.000000e+00 : f32
        %max3A_790 = vector.broadcast %max3A_789 : f32 to vector<16xf32>
        %max3A_791 = arith.maximumf %add3A_788, %max3A_790 : vector<16xf32>
        %get3A_792 = arith.constant 53 : i32
        %get3A_793 = arith.index_cast %get3A_792 : i32 to index
        %get3A_794 = arith.constant 0 : index
        %get3A_795 = tpu.vector_load %arg19[%get3A_793, %get3A_794] {strides = array<i32>} : memref<64x16xf32, #tpu.memory_space<vmem>>, vector<16xf32>,
        %mul3A_796 = arith.mulf %max3A_791, %get3A_795 : vector<16xf32>
        %add3A_797 = arith.addf %add3A_741, %mul3A_796 : vector<16xf32>
        %broadcast_in_dim3A_798 = arith.constant 54 : i32
        %broadcast_in_dim3A_799 = vector.broadcast %broadcast_in_dim3A_798 : i32 to vector<16xi32>
        %gather3A_800 = tpu.vector_load_idx %arg14[%add3A_35, %broadcast_in_dim3A_799] : memref<128x64xf32, #tpu.memory_space<vmem>>[vector<16xi32>, vector<16xi32>], vector<16xf32>,
        %gather3A_801 = tpu.vector_load_idx %arg15[%add3A_35, %broadcast_in_dim3A_799] : memref<128x64xf32, #tpu.memory_space<vmem>>[vector<16xi32>, vector<16xi32>], vector<16xf32>,
        %add3A_802 = arith.addf %gather3A_800, %gather3A_801 : vector<16xf32>
        %max3A_803 = arith.constant 0.000000e+00 : f32
        %max3A_804 = vector.broadcast %max3A_803 : f32 to vector<16xf32>
        %max3A_805 = arith.maximumf %add3A_802, %max3A_804 : vector<16xf32>
        %get3A_806 = arith.constant 54 : i32
        %get3A_807 = arith.index_cast %get3A_806 : i32 to index
        %get3A_808 = arith.constant 0 : index
        %get3A_809 = tpu.vector_load %arg19[%get3A_807, %get3A_808] {strides = array<i32>} : memref<64x16xf32, #tpu.memory_space<vmem>>, vector<16xf32>,
        %mul3A_810 = arith.mulf %max3A_805, %get3A_809 : vector<16xf32>
        %add3A_811 = arith.addf %add3A_755, %mul3A_810 : vector<16xf32>
        %broadcast_in_dim3A_812 = arith.constant 55 : i32
        %broadcast_in_dim3A_813 = vector.broadcast %broadcast_in_dim3A_812 : i32 to vector<16xi32>
        %gather3A_814 = tpu.vector_load_idx %arg14[%add3A_35, %broadcast_in_dim3A_813] : memref<128x64xf32, #tpu.memory_space<vmem>>[vector<16xi32>, vector<16xi32>], vector<16xf32>,
        %gather3A_815 = tpu.vector_load_idx %arg15[%add3A_35, %broadcast_in_dim3A_813] : memref<128x64xf32, #tpu.memory_space<vmem>>[vector<16xi32>, vector<16xi32>], vector<16xf32>,
        %add3A_816 = arith.addf %gather3A_814, %gather3A_815 : vector<16xf32>
        %max3A_817 = arith.constant 0.000000e+00 : f32
        %max3A_818 = vector.broadcast %max3A_817 : f32 to vector<16xf32>
        %max3A_819 = arith.maximumf %add3A_816, %max3A_818 : vector<16xf32>
        %get3A_820 = arith.constant 55 : i32
        %get3A_821 = arith.index_cast %get3A_820 : i32 to index
        %get3A_822 = arith.constant 0 : index
        %get3A_823 = tpu.vector_load %arg19[%get3A_821, %get3A_822] {strides = array<i32>} : memref<64x16xf32, #tpu.memory_space<vmem>>, vector<16xf32>,
        %mul3A_824 = arith.mulf %max3A_819, %get3A_823 : vector<16xf32>
        %add3A_825 = arith.addf %add3A_769, %mul3A_824 : vector<16xf32>
        %broadcast_in_dim3A_826 = arith.constant 56 : i32
        %broadcast_in_dim3A_827 = vector.broadcast %broadcast_in_dim3A_826 : i32 to vector<16xi32>
        %gather3A_828 = tpu.vector_load_idx %arg14[%add3A_35, %broadcast_in_dim3A_827] : memref<128x64xf32, #tpu.memory_space<vmem>>[vector<16xi32>, vector<16xi32>], vector<16xf32>,
        %gather3A_829 = tpu.vector_load_idx %arg15[%add3A_35, %broadcast_in_dim3A_827] : memref<128x64xf32, #tpu.memory_space<vmem>>[vector<16xi32>, vector<16xi32>], vector<16xf32>,
        %add3A_830 = arith.addf %gather3A_828, %gather3A_829 : vector<16xf32>
        %max3A_831 = arith.constant 0.000000e+00 : f32
        %max3A_832 = vector.broadcast %max3A_831 : f32 to vector<16xf32>
        %max3A_833 = arith.maximumf %add3A_830, %max3A_832 : vector<16xf32>
        %get3A_834 = arith.constant 56 : i32
        %get3A_835 = arith.index_cast %get3A_834 : i32 to index
        %get3A_836 = arith.constant 0 : index
        %get3A_837 = tpu.vector_load %arg19[%get3A_835, %get3A_836] {strides = array<i32>} : memref<64x16xf32, #tpu.memory_space<vmem>>, vector<16xf32>,
        %mul3A_838 = arith.mulf %max3A_833, %get3A_837 : vector<16xf32>
        %add3A_839 = arith.addf %add3A_783, %mul3A_838 : vector<16xf32>
        %broadcast_in_dim3A_840 = arith.constant 57 : i32
        %broadcast_in_dim3A_841 = vector.broadcast %broadcast_in_dim3A_840 : i32 to vector<16xi32>
        %gather3A_842 = tpu.vector_load_idx %arg14[%add3A_35, %broadcast_in_dim3A_841] : memref<128x64xf32, #tpu.memory_space<vmem>>[vector<16xi32>, vector<16xi32>], vector<16xf32>,
        %gather3A_843 = tpu.vector_load_idx %arg15[%add3A_35, %broadcast_in_dim3A_841] : memref<128x64xf32, #tpu.memory_space<vmem>>[vector<16xi32>, vector<16xi32>], vector<16xf32>,
        %add3A_844 = arith.addf %gather3A_842, %gather3A_843 : vector<16xf32>
        %max3A_845 = arith.constant 0.000000e+00 : f32
        %max3A_846 = vector.broadcast %max3A_845 : f32 to vector<16xf32>
        %max3A_847 = arith.maximumf %add3A_844, %max3A_846 : vector<16xf32>
        %get3A_848 = arith.constant 57 : i32
        %get3A_849 = arith.index_cast %get3A_848 : i32 to index
        %get3A_850 = arith.constant 0 : index
        %get3A_851 = tpu.vector_load %arg19[%get3A_849, %get3A_850] {strides = array<i32>} : memref<64x16xf32, #tpu.memory_space<vmem>>, vector<16xf32>,
        %mul3A_852 = arith.mulf %max3A_847, %get3A_851 : vector<16xf32>
        %add3A_853 = arith.addf %add3A_797, %mul3A_852 : vector<16xf32>
        %broadcast_in_dim3A_854 = arith.constant 58 : i32
        %broadcast_in_dim3A_855 = vector.broadcast %broadcast_in_dim3A_854 : i32 to vector<16xi32>
        %gather3A_856 = tpu.vector_load_idx %arg14[%add3A_35, %broadcast_in_dim3A_855] : memref<128x64xf32, #tpu.memory_space<vmem>>[vector<16xi32>, vector<16xi32>], vector<16xf32>,
        %gather3A_857 = tpu.vector_load_idx %arg15[%add3A_35, %broadcast_in_dim3A_855] : memref<128x64xf32, #tpu.memory_space<vmem>>[vector<16xi32>, vector<16xi32>], vector<16xf32>,
        %add3A_858 = arith.addf %gather3A_856, %gather3A_857 : vector<16xf32>
        %max3A_859 = arith.constant 0.000000e+00 : f32
        %max3A_860 = vector.broadcast %max3A_859 : f32 to vector<16xf32>
        %max3A_861 = arith.maximumf %add3A_858, %max3A_860 : vector<16xf32>
        %get3A_862 = arith.constant 58 : i32
        %get3A_863 = arith.index_cast %get3A_862 : i32 to index
        %get3A_864 = arith.constant 0 : index
        %get3A_865 = tpu.vector_load %arg19[%get3A_863, %get3A_864] {strides = array<i32>} : memref<64x16xf32, #tpu.memory_space<vmem>>, vector<16xf32>,
        %mul3A_866 = arith.mulf %max3A_861, %get3A_865 : vector<16xf32>
        %add3A_867 = arith.addf %add3A_811, %mul3A_866 : vector<16xf32>
        %broadcast_in_dim3A_868 = arith.constant 59 : i32
        %broadcast_in_dim3A_869 = vector.broadcast %broadcast_in_dim3A_868 : i32 to vector<16xi32>
        %gather3A_870 = tpu.vector_load_idx %arg14[%add3A_35, %broadcast_in_dim3A_869] : memref<128x64xf32, #tpu.memory_space<vmem>>[vector<16xi32>, vector<16xi32>], vector<16xf32>,
        %gather3A_871 = tpu.vector_load_idx %arg15[%add3A_35, %broadcast_in_dim3A_869] : memref<128x64xf32, #tpu.memory_space<vmem>>[vector<16xi32>, vector<16xi32>], vector<16xf32>,
        %add3A_872 = arith.addf %gather3A_870, %gather3A_871 : vector<16xf32>
        %max3A_873 = arith.constant 0.000000e+00 : f32
        %max3A_874 = vector.broadcast %max3A_873 : f32 to vector<16xf32>
        %max3A_875 = arith.maximumf %add3A_872, %max3A_874 : vector<16xf32>
        %get3A_876 = arith.constant 59 : i32
        %get3A_877 = arith.index_cast %get3A_876 : i32 to index
        %get3A_878 = arith.constant 0 : index
        %get3A_879 = tpu.vector_load %arg19[%get3A_877, %get3A_878] {strides = array<i32>} : memref<64x16xf32, #tpu.memory_space<vmem>>, vector<16xf32>,
        %mul3A_880 = arith.mulf %max3A_875, %get3A_879 : vector<16xf32>
        %add3A_881 = arith.addf %add3A_825, %mul3A_880 : vector<16xf32>
        %broadcast_in_dim3A_882 = arith.constant 60 : i32
        %broadcast_in_dim3A_883 = vector.broadcast %broadcast_in_dim3A_882 : i32 to vector<16xi32>
        %gather3A_884 = tpu.vector_load_idx %arg14[%add3A_35, %broadcast_in_dim3A_883] : memref<128x64xf32, #tpu.memory_space<vmem>>[vector<16xi32>, vector<16xi32>], vector<16xf32>,
        %gather3A_885 = tpu.vector_load_idx %arg15[%add3A_35, %broadcast_in_dim3A_883] : memref<128x64xf32, #tpu.memory_space<vmem>>[vector<16xi32>, vector<16xi32>], vector<16xf32>,
        %add3A_886 = arith.addf %gather3A_884, %gather3A_885 : vector<16xf32>
        %max3A_887 = arith.constant 0.000000e+00 : f32
        %max3A_888 = vector.broadcast %max3A_887 : f32 to vector<16xf32>
        %max3A_889 = arith.maximumf %add3A_886, %max3A_888 : vector<16xf32>
        %get3A_890 = arith.constant 60 : i32
        %get3A_891 = arith.index_cast %get3A_890 : i32 to index
        %get3A_892 = arith.constant 0 : index
        %get3A_893 = tpu.vector_load %arg19[%get3A_891, %get3A_892] {strides = array<i32>} : memref<64x16xf32, #tpu.memory_space<vmem>>, vector<16xf32>,
        %mul3A_894 = arith.mulf %max3A_889, %get3A_893 : vector<16xf32>
        %add3A_895 = arith.addf %add3A_839, %mul3A_894 : vector<16xf32>
        %broadcast_in_dim3A_896 = arith.constant 61 : i32
        %broadcast_in_dim3A_897 = vector.broadcast %broadcast_in_dim3A_896 : i32 to vector<16xi32>
        %gather3A_898 = tpu.vector_load_idx %arg14[%add3A_35, %broadcast_in_dim3A_897] : memref<128x64xf32, #tpu.memory_space<vmem>>[vector<16xi32>, vector<16xi32>], vector<16xf32>,
        %gather3A_899 = tpu.vector_load_idx %arg15[%add3A_35, %broadcast_in_dim3A_897] : memref<128x64xf32, #tpu.memory_space<vmem>>[vector<16xi32>, vector<16xi32>], vector<16xf32>,
        %add3A_900 = arith.addf %gather3A_898, %gather3A_899 : vector<16xf32>
        %max3A_901 = arith.constant 0.000000e+00 : f32
        %max3A_902 = vector.broadcast %max3A_901 : f32 to vector<16xf32>
        %max3A_903 = arith.maximumf %add3A_900, %max3A_902 : vector<16xf32>
        %get3A_904 = arith.constant 61 : i32
        %get3A_905 = arith.index_cast %get3A_904 : i32 to index
        %get3A_906 = arith.constant 0 : index
        %get3A_907 = tpu.vector_load %arg19[%get3A_905, %get3A_906] {strides = array<i32>} : memref<64x16xf32, #tpu.memory_space<vmem>>, vector<16xf32>,
        %mul3A_908 = arith.mulf %max3A_903, %get3A_907 : vector<16xf32>
        %add3A_909 = arith.addf %add3A_853, %mul3A_908 : vector<16xf32>
        %broadcast_in_dim3A_910 = arith.constant 62 : i32
        %broadcast_in_dim3A_911 = vector.broadcast %broadcast_in_dim3A_910 : i32 to vector<16xi32>
        %gather3A_912 = tpu.vector_load_idx %arg14[%add3A_35, %broadcast_in_dim3A_911] : memref<128x64xf32, #tpu.memory_space<vmem>>[vector<16xi32>, vector<16xi32>], vector<16xf32>,
        %gather3A_913 = tpu.vector_load_idx %arg15[%add3A_35, %broadcast_in_dim3A_911] : memref<128x64xf32, #tpu.memory_space<vmem>>[vector<16xi32>, vector<16xi32>], vector<16xf32>,
        %add3A_914 = arith.addf %gather3A_912, %gather3A_913 : vector<16xf32>
        %max3A_915 = arith.constant 0.000000e+00 : f32
        %max3A_916 = vector.broadcast %max3A_915 : f32 to vector<16xf32>
        %max3A_917 = arith.maximumf %add3A_914, %max3A_916 : vector<16xf32>
        %get3A_918 = arith.constant 62 : i32
        %get3A_919 = arith.index_cast %get3A_918 : i32 to index
        %get3A_920 = arith.constant 0 : index
        %get3A_921 = tpu.vector_load %arg19[%get3A_919, %get3A_920] {strides = array<i32>} : memref<64x16xf32, #tpu.memory_space<vmem>>, vector<16xf32>,
        %mul3A_922 = arith.mulf %max3A_917, %get3A_921 : vector<16xf32>
        %add3A_923 = arith.addf %add3A_867, %mul3A_922 : vector<16xf32>
        %broadcast_in_dim3A_924 = arith.constant 63 : i32
        %broadcast_in_dim3A_925 = vector.broadcast %broadcast_in_dim3A_924 : i32 to vector<16xi32>
        %gather3A_926 = tpu.vector_load_idx %arg14[%add3A_35, %broadcast_in_dim3A_925] : memref<128x64xf32, #tpu.memory_space<vmem>>[vector<16xi32>, vector<16xi32>], vector<16xf32>,
        %gather3A_927 = tpu.vector_load_idx %arg15[%add3A_35, %broadcast_in_dim3A_925] : memref<128x64xf32, #tpu.memory_space<vmem>>[vector<16xi32>, vector<16xi32>], vector<16xf32>,
        %add3A_928 = arith.addf %gather3A_926, %gather3A_927 : vector<16xf32>
        %max3A_929 = arith.constant 0.000000e+00 : f32
        %max3A_930 = vector.broadcast %max3A_929 : f32 to vector<16xf32>
        %max3A_931 = arith.maximumf %add3A_928, %max3A_930 : vector<16xf32>
        %get3A_932 = arith.constant 63 : i32
        %get3A_933 = arith.index_cast %get3A_932 : i32 to index
        %get3A_934 = arith.constant 0 : index
        %get3A_935 = tpu.vector_load %arg19[%get3A_933, %get3A_934] {strides = array<i32>} : memref<64x16xf32, #tpu.memory_space<vmem>>, vector<16xf32>,
        %mul3A_936 = arith.mulf %max3A_931, %get3A_935 : vector<16xf32>
        %add3A_937 = arith.addf %add3A_881, %mul3A_936 : vector<16xf32>
        %add3A_938 = arith.addf %add3A_895, %add3A_909 : vector<16xf32>
        %add3A_939 = arith.addf %add3A_923, %add3A_937 : vector<16xf32>
        %add3A_940 = arith.addf %add3A_938, %add3A_939 : vector<16xf32>
        %mul3A_941 = arith.constant 16 : i32
        %mul3A_942 = arith.muli %scan3A_31, %mul3A_941 : i32
        %add3A_943 = arith.addf %add3A_940, %get3A_3 : vector<16xf32>
        %get3A_944 = arith.index_cast %mul3A_942 : i32 to index
        %get3A_945 = tpu.vector_load %arg16[%get3A_944] {strides = array<i32>} : memref<128xf32, #tpu.memory_space<vmem>>, vector<16xf32>,
        %add3A_946 = arith.addf %add3A_943, %get3A_945 : vector<16xf32>
        %mul3A_947 = arith.constant 2.000000e+00 : f32
        %mul3A_948 = vector.broadcast %mul3A_947 : f32 to vector<16xf32>
        %mul3A_949 = arith.mulf %add3A_946, %mul3A_948 : vector<16xf32>
        %neg3A = arith.constant 0.000000e+00 : f32
        %neg3A_950 = vector.broadcast %neg3A : f32 to vector<16xf32>
        %neg3A_951 = arith.subf %neg3A_950, %mul3A_949 : vector<16xf32>
        %exp3A = math.exp %neg3A_951 : vector<16xf32>
        %add3A_952 = arith.constant 1.000000e+00 : f32
        %add3A_953 = vector.broadcast %add3A_952 : f32 to vector<16xf32>
        %add3A_954 = arith.addf %add3A_953, %exp3A : vector<16xf32>
        %div3A = arith.constant 1.000000e+00 : f32
        %div3A_955 = vector.broadcast %div3A : f32 to vector<16xf32>
        %div3A_956 = arith.divf %div3A_955, %add3A_954 : vector<16xf32>
        %get3A_957 = arith.index_cast %mul3A_942 : i32 to index
        %get3A_958 = tpu.vector_load %arg17[%get3A_957] {strides = array<i32>} : memref<128xf32, #tpu.memory_space<vmem>>, vector<16xf32>,
        %mul3A_959 = arith.mulf %get3A_958, %div3A_956 : vector<16xf32>
        %swap3A_960 = arith.index_cast %mul3A_942 : i32 to index
        %swap3A_961 = tpu.vector_load %arg18[%swap3A_960] {strides = array<i32>} : memref<128xf32, #tpu.memory_space<vmem>>, vector<16xf32>,
        tpu.vector_store %arg18[%swap3A_960], %mul3A_959 {strides = array<i32>} : memref<128xf32, #tpu.memory_space<vmem>>, vector<16xf32>,
        %get3A_962 = arith.constant 0 : index
        %get3A_963 = tpu.vector_load %arg21[%get3A_962] {strides = array<i32>} : memref<16xf32, #tpu.memory_space<vmem>>, vector<16xf32>,
        %add3A_964 = arith.addf %get3A_963, %div3A_956 : vector<16xf32>
        %swap3A_965 = arith.constant 0 : index
        %swap3A_966 = tpu.vector_load %arg21[%swap3A_965] {strides = array<i32>} : memref<16xf32, #tpu.memory_space<vmem>>, vector<16xf32>,
        tpu.vector_store %arg21[%swap3A_965], %add3A_964 {strides = array<i32>} : memref<16xf32, #tpu.memory_space<vmem>>, vector<16xf32>,
      }
      %scan3A_30 = arith.constant 8 : i32
      "tpu.region"() ({
        %run_scoped3A = tpu.sem_alloc : memref<!tpu.dma_semaphore, #tpu.memory_space<semaphore_mem>>
        %dma_start3A_31 = tpu.memref_slice %arg10[%add3A_14] : memref<163840xf32, #tpu.memory_space<hbm>> -> memref<128xf32, #tpu.memory_space<hbm>>
        %dma_start3A_32 = tpu.memref_slice %arg10[%add3A_14] : memref<163840xf32, #tpu.memory_space<hbm>> -> memref<128xf32, #tpu.memory_space<hbm>>
        tpu.enqueue_dma source(%arg18 : memref<128xf32, #tpu.memory_space<vmem>>) target(%dma_start3A_32 : memref<128xf32, #tpu.memory_space<hbm>>) target_semaphore(%run_scoped3A : memref<!tpu.dma_semaphore, #tpu.memory_space<semaphore_mem>>)
        %dma_wait3A_33 = tpu.memref_slice %arg10[%add3A_14] : memref<163840xf32, #tpu.memory_space<hbm>> -> memref<128xf32, #tpu.memory_space<hbm>>
        %dma_wait3A_34 = tpu.memref_slice %arg10[%add3A_14] : memref<163840xf32, #tpu.memory_space<hbm>> -> memref<128xf32, #tpu.memory_space<hbm>>
        tpu.wait_dma2 semaphore(%run_scoped3A : memref<!tpu.dma_semaphore, #tpu.memory_space<semaphore_mem>>) src(%arg18 : memref<128xf32, #tpu.memory_space<vmem>>) dst(%dma_wait3A_34 : memref<128xf32, #tpu.memory_space<hbm>>)
        tpu.yield
      }) : () -> ()
    }
    %scan3A_10 = arith.constant 40 : i32
    "tpu.region"() ({
      %run_scoped3A = tpu.sem_alloc : memref<!tpu.dma_semaphore, #tpu.memory_space<semaphore_mem>>
      %dma_start3A = arith.constant 0 : i32
      %dma_start3A_11 = tpu.memref_slice %arg11[%add3A, %dma_start3A] : memref<32x16xf32, #tpu.memory_space<hbm>> -> memref<1x16xf32, #tpu.memory_space<hbm>>
      %dma_start3A_12 = tpu.memref_squeeze %dma_start3A_11 : memref<1x16xf32, #tpu.memory_space<hbm>> -> memref<16xf32, #tpu.memory_space<hbm>>
      %dma_start3A_13 = arith.constant 0 : i32
      %dma_start3A_14 = tpu.memref_slice %arg11[%add3A, %dma_start3A_13] : memref<32x16xf32, #tpu.memory_space<hbm>> -> memref<1x16xf32, #tpu.memory_space<hbm>>
      %dma_start3A_15 = tpu.memref_squeeze %dma_start3A_14 : memref<1x16xf32, #tpu.memory_space<hbm>> -> memref<16xf32, #tpu.memory_space<hbm>>
      tpu.enqueue_dma source(%arg21 : memref<16xf32, #tpu.memory_space<vmem>>) target(%dma_start3A_15 : memref<16xf32, #tpu.memory_space<hbm>>) target_semaphore(%run_scoped3A : memref<!tpu.dma_semaphore, #tpu.memory_space<semaphore_mem>>)
      %dma_wait3A = arith.constant 0 : i32
      %dma_wait3A_16 = tpu.memref_slice %arg11[%add3A, %dma_wait3A] : memref<32x16xf32, #tpu.memory_space<hbm>> -> memref<1x16xf32, #tpu.memory_space<hbm>>
      %dma_wait3A_17 = tpu.memref_squeeze %dma_wait3A_16 : memref<1x16xf32, #tpu.memory_space<hbm>> -> memref<16xf32, #tpu.memory_space<hbm>>
      %dma_wait3A_18 = arith.constant 0 : i32
      %dma_wait3A_19 = tpu.memref_slice %arg11[%add3A, %dma_wait3A_18] : memref<32x16xf32, #tpu.memory_space<hbm>> -> memref<1x16xf32, #tpu.memory_space<hbm>>
      %dma_wait3A_20 = tpu.memref_squeeze %dma_wait3A_19 : memref<1x16xf32, #tpu.memory_space<hbm>> -> memref<16xf32, #tpu.memory_space<hbm>>
      tpu.wait_dma2 semaphore(%run_scoped3A : memref<!tpu.dma_semaphore, #tpu.memory_space<semaphore_mem>>) src(%arg21 : memref<16xf32, #tpu.memory_space<vmem>>) dst(%dma_wait3A_20 : memref<16xf32, #tpu.memory_space<hbm>>)
      tpu.yield
    }) : () -> ()
    return
  }
}

module attributes {stable_mosaic.version = 14 : i64} {
  func.func @_proj_body(%arg0: i32, %arg1: memref<1000x128xf32, #tpu.memory_space<vmem>>, %arg2: memref<128x64xf32, #tpu.memory_space<vmem>>, %arg3: memref<128x64xf32, #tpu.memory_space<vmem>>, %arg4: memref<1x64xf32, #tpu.memory_space<vmem>>, %arg5: memref<1000x64xf32, #tpu.memory_space<vmem>>, %arg6: memref<1000x64xf32, #tpu.memory_space<vmem>>) attributes {dimension_semantics = [#tpu.dimension_semantics<arbitrary>], iteration_bounds = array<i64: 10>, scalar_prefetch = 0 : i64, scratch_operands = 0 : i64, tpu.core_type = #tpu.core_type<tc>, window_params = [{transform_indices = @transform_0, window_bounds = array<i64: 1000, 128>}, {pipeline_mode = #tpu.pipeline_mode<synchronous>, transform_indices = @transform_1, window_bounds = array<i64: 128, 64>}, {pipeline_mode = #tpu.pipeline_mode<synchronous>, transform_indices = @transform_2, window_bounds = array<i64: 128, 64>}, {pipeline_mode = #tpu.pipeline_mode<synchronous>, transform_indices = @transform_3, window_bounds = array<i64: 1, 64>}, {transform_indices = @transform_4, window_bounds = array<i64: 1000, 64>}, {transform_indices = @transform_5, window_bounds = array<i64: 1000, 64>}]} {
    %get3A = arith.constant 0 : index
    %get3A_0 = arith.constant 0 : index
    %get3A_1 = vector.load %arg1[%get3A, %get3A_0] : memref<1000x128xf32, #tpu.memory_space<vmem>>, vector<1000x128xf32>
    %get3A_2 = arith.constant 0 : index
    %get3A_3 = arith.constant 0 : index
    %get3A_4 = vector.load %arg2[%get3A_2, %get3A_3] : memref<128x64xf32, #tpu.memory_space<vmem>>, vector<128x64xf32>
    %dot_general3A = arith.constant dense<0.000000e+00> : vector<1000x64xf32>
    %dot_general3A_5 = tpu.matmul %get3A_1, %get3A_4, %dot_general3A {dimension_numbers = #tpu.dot_dimension_numbers<[1], [0], [0], [1], [0, 0, 1, 1], [], []>, precision = #tpu.contract_precision<fp32>, transpose_lhs_hint = false} : vector<1000x128xf32>, vector<128x64xf32>, vector<1000x64xf32> -> vector<1000x64xf32>
    %get3A_6 = arith.constant 0 : index
    %get3A_7 = arith.constant 0 : index
    %get3A_8 = vector.load %arg4[%get3A_6, %get3A_7] : memref<1x64xf32, #tpu.memory_space<vmem>>, vector<1x64xf32>
    %add3A = vector.broadcast %get3A_8 : vector<1x64xf32> to vector<1000x64xf32>
    %add3A_9 = arith.addf %dot_general3A_5, %add3A : vector<1000x64xf32>
    %swap3A = arith.constant 0 : index
    %swap3A_10 = arith.constant 0 : index
    %swap3A_11 = vector.load %arg5[%swap3A, %swap3A_10] : memref<1000x64xf32, #tpu.memory_space<vmem>>, vector<1000x64xf32>
    tpu.vector_store %arg5[%swap3A, %swap3A_10], %add3A_9 {strides = array<i32>} : memref<1000x64xf32, #tpu.memory_space<vmem>>, vector<1000x64xf32>,
    %get3A_12 = arith.constant 0 : index
    %get3A_13 = arith.constant 0 : index
    %get3A_14 = vector.load %arg3[%get3A_12, %get3A_13] : memref<128x64xf32, #tpu.memory_space<vmem>>, vector<128x64xf32>
    %dot_general3A_15 = arith.constant dense<0.000000e+00> : vector<1000x64xf32>
    %dot_general3A_16 = tpu.matmul %get3A_1, %get3A_14, %dot_general3A_15 {dimension_numbers = #tpu.dot_dimension_numbers<[1], [0], [0], [1], [0, 0, 1, 1], [], []>, precision = #tpu.contract_precision<fp32>, transpose_lhs_hint = false} : vector<1000x128xf32>, vector<128x64xf32>, vector<1000x64xf32> -> vector<1000x64xf32>
    %swap3A_17 = arith.constant 0 : index
    %swap3A_18 = arith.constant 0 : index
    %swap3A_19 = vector.load %arg6[%swap3A_17, %swap3A_18] : memref<1000x64xf32, #tpu.memory_space<vmem>>, vector<1000x64xf32>
    tpu.vector_store %arg6[%swap3A_17, %swap3A_18], %dot_general3A_16 {strides = array<i32>} : memref<1000x64xf32, #tpu.memory_space<vmem>>, vector<1000x64xf32>,
    return
  }
  func.func @transform_0(%arg0: i32) -> (i32, i32) {
    %c0_i32 = arith.constant 0 : i32
    %c0_i32_0 = arith.constant 0 : i32
    return %arg0, %c0_i32 : i32, i32
  }
  func.func @transform_1(%arg0: i32) -> (i32, i32) {
    %c0_i32 = arith.constant 0 : i32
    %c0_i32_0 = arith.constant 0 : i32
    %c0_i32_1 = arith.constant 0 : i32
    return %c0_i32, %c0_i32_0 : i32, i32
  }
  func.func @transform_2(%arg0: i32) -> (i32, i32) {
    %c0_i32 = arith.constant 0 : i32
    %c0_i32_0 = arith.constant 0 : i32
    %c0_i32_1 = arith.constant 0 : i32
    return %c0_i32, %c0_i32_0 : i32, i32
  }
  func.func @transform_3(%arg0: i32) -> (i32, i32) {
    %c0_i32 = arith.constant 0 : i32
    %c0_i32_0 = arith.constant 0 : i32
    %c0_i32_1 = arith.constant 0 : i32
    return %c0_i32, %c0_i32_0 : i32, i32
  }
  func.func @transform_4(%arg0: i32) -> (i32, i32) {
    %c0_i32 = arith.constant 0 : i32
    %c0_i32_0 = arith.constant 0 : i32
    return %arg0, %c0_i32 : i32, i32
  }
  func.func @transform_5(%arg0: i32) -> (i32, i32) {
    %c0_i32 = arith.constant 0 : i32
    %c0_i32_0 = arith.constant 0 : i32
    return %arg0, %c0_i32 : i32, i32
  }
}

</mosaic_0001>

<sc_bundles>
// kernel: kernel.4.cloned.1.call-start
scs
__scs_entry_jumppad:
0x0: {  	(pc) =	sbr.rel $0x88, $3  }
0x1: {  	(tag) =	ssettag $0x0;
	lr =	simm.s32 $0x1  }
0x2: {  	[smem:$0x3F99] =	sst lr;
	_ =	strace $0xD0000000  }
0x3: {  	_ = 	snop  }
0x4: {  	_ = 	snop  }
0x5: {  	_ = 	snop  }
0x6: {  	_ = 	snop  }
0x7: {  	_ = 	snop  }
__scs_overlays_trampoline_lowered:
0x8: {  	[smem:$0x3FA8] =	sst s0  }
0x9: {  	[smem:$0x3FA9] =	sst s1  }
0xa: {  	[smem:$0x3FAA] =	sst s2  }
0xb: {  	[smem:$0x3FAB] =	sst s3  }
0xc: {  	[smem:$0x3FAC] =	sst s4  }
0xd: {  	[smem:$0x3FAD] =	sst s5  }
0xe: {  	[smem:$0x3FAE] =	sst s6  }
0xf: {  	[smem:$0x3FAF] =	sst s7  }
0x10: {  	[smem:$0x3FB0] =	sst s8  }
0x11: {  	[smem:$0x3FB1] =	sst s9;
	s0 =	simm.s32 @!p0 $0x0  }
0x12: {  	s1 =	sld [smem:$0x3F97];
	s0 =	simm.s32 @p0 $0x1  }
0x13: {  	[smem:$0x3FB2] =	sst s0;
	s0 =	simm.s32 @!p1 $0x0  }
0x14: {  	s2 =	sld [smem:$0x3F96];
	s0 =	simm.s32 @p1 $0x1  }
0x15: {  	[smem:$0x3FB3] =	sst s0;
	s0 =	simm.s32 @!p2 $0x0  }
0x16: {  	s3 =	sld [smem:$0x3FDB];
	s0 =	simm.s32 @p2 $0x1  }
0x17: {  	s4 =	simm.s32 $0x1BF5;
	[smem:$0x3FB5] =	sst s0  }
0x18: {  	s0 =	sld [smem:$0x3F98];
	_ =	swait.ge [sflag:s4], $0x0  }
0x19: {  	s7 =	sld [smem:$0x3F99]  }
0x1a: {  	s8 =	sadd.s32 $0xFFFFE003, lr  }
0x1b: {  	s9 =	sadd.s32 $0xFFFFFEF7, lr;
	s5 =	simm.s32 $0xFFFFFFFF;
	p2 =	slt.u32 s8, $0xFFFFF086  }
0x1c: {  	p1 =	slt.u32 s9, $0xF7A;
	s5 =	simm.s32 @!p2 $0x0  }
0x1d: {  	s5 =	simm.s32 @p1 $0x1;
	p0 =	seq.s32 s7, s2  }
0x1e: {  	s7 =	smul.u32 @!p0 $0xF7A, s2;
	p2 =	seq.s32 @!p0 s5, $0x0  }
0x1f: {  	s9 =	smul.u32 $0xF7A, s1;
	s8 =	simm.s32 @!p0 $0x1BF5;
	p2 =	por !p2, p0  }
0x20: {  	[sflag:s8] =	ssyncset.s32 @!p0 $0xFFFFF086;
	s6 =	sadd.s32 @!p0 s3, s7;
	s7 =	simm.s32 @!p0 $0x108  }
0x21: {  	s3 =	sadd.s32 s3, s9;
	s6 =	sadd.s32 @!p0 $0x88, s6;
	s7 =	simm.s32 @p2 $0x1082  }
0x22: {  	[simem:s7], [sflag:s8] =	dma.local @!p0 [hbm:s6], $0xF7A  }
0x23: {  	s9 =	sor.u32 $0xD0000000, s2;
	s6 =	simm.s32 $0x108;
	_ =	swait.ge @!p0 [sflag:s8], $0x0  }
0x24: {  	s3 =	sadd.s32 $0x88, s3;
	s6 =	simm.s32 @!p1 $0x1082;
	[sflag:s4] =	ssyncset.s32 $0xFFFFF086  }
0x25: {  	[simem:s6], [sflag:s4] =	dma.local [hbm:s3], $0xF7A  }
0x26: {  	[smem:$0x3F99] =	sst s1;
	(tag) =	ssettag s2;
	_ =	strace s9  }
0x27: {  	s1 =	sld [smem:$0x3FA9]  }
0x28: {  	s2 =	sld [smem:$0x3FAA]  }
0x29: {  	s4 =	sld [smem:$0x3FAC]  }
0x2a: {  	p0 =	seq.s32 s5, $0x0;
	s5 =	sld [smem:$0x3FAD]  }
0x2b: {  	s6 =	sld [smem:$0x3FAE]  }
0x2c: {  	s7 =	sld [smem:$0x3FAF]  }
0x2d: {  	s3 =	simm.s32 $0x108;
	s8 =	sld [smem:$0x3FB0]  }
0x2e: {  	s3 =	simm.s32 @!p0 $0x1082;
	s9 =	sld [smem:$0x3FB1]  }
0x2f: {  	lr =	sadd.s32 s0, s3;
	s0 =	sld [smem:$0x3FA8]  }
0x30: {  	s3 =	sld [smem:$0x3FAB]  }
0x31: {  	[smem:$0x3FB4] =	sst s10  }
0x32: {  	s10 =	sld [smem:$0x3FB2];
	_ =	sdelay $0x3  }
0x33: {  	p0 =	seq.s32 s10, $0x1;
	s10 =	sld [smem:$0x3FB4];
	_ =	sdelay $0x3  }
0x34: {  	[smem:$0x3FB4] =	sst s10  }
0x35: {  	s10 =	sld [smem:$0x3FB3];
	_ =	sdelay $0x3  }
0x36: {  	p1 =	seq.s32 s10, $0x1;
	s10 =	sld [smem:$0x3FB4];
	_ =	sdelay $0x3  }
0x37: {  	[smem:$0x3FB4] =	sst s10  }
0x38: {  	s10 =	sld [smem:$0x3FB5]  }
0x39: {  	_ = 	snop;
	(pc) =	sbr.ind lr, $3  }
0x3a: {  	_ = 	snop  }
0x3b: {  	_ = 	snop  }
0x3c: {  	p2 =	seq.s32 s10, $0x1;
	s10 =	sld [smem:$0x3FB4]  }
0x3d: {  	_ =	shalt  }
0x3e: {  	_ =	shalt  }
0x3f: {  	_ =	shalt  }
0x40: {  	_ =	shalt  }
0x41: {  	_ =	shalt  }
0x42: {  	_ =	shalt  }
0x43: {  	_ =	shalt  }
0x44: {  	_ =	shalt  }
0x45: {  	_ =	shalt  }
0x46: {  	_ =	shalt  }
0x47: {  	_ =	shalt  }
0x48: {  	_ =	shalt  }
0x49: {  	_ =	shalt  }
0x4a: {  	_ =	shalt  }
0x4b: {  	_ =	shalt  }
0x4c: {  	_ =	shalt  }
0x4d: {  	_ =	shalt  }
0x4e: {  	_ =	shalt  }
0x4f: {  	_ =	shalt  }
0x50: {  	_ =	shalt  }
0x51: {  	_ =	shalt  }
0x52: {  	_ =	shalt  }
0x53: {  	_ =	shalt  }
0x54: {  	_ =	shalt  }
0x55: {  	_ =	shalt  }
0x56: {  	_ =	shalt  }
0x57: {  	_ =	shalt  }
0x58: {  	_ =	shalt  }
0x59: {  	_ =	shalt  }
0x5a: {  	_ =	shalt  }
0x5b: {  	_ =	shalt  }
0x5c: {  	_ =	shalt  }
0x5d: {  	_ =	shalt  }
0x5e: {  	_ =	shalt  }
0x5f: {  	_ =	shalt  }
0x60: {  	_ =	shalt  }
0x61: {  	_ =	shalt  }
0x62: {  	_ =	shalt  }
0x63: {  	_ =	shalt  }
0x64: {  	_ =	shalt  }
0x65: {  	_ =	shalt  }
0x66: {  	_ =	shalt  }
0x67: {  	_ =	shalt  }
0x68: {  	_ =	shalt  }
0x69: {  	_ =	shalt  }
0x6a: {  	_ =	shalt  }
0x6b: {  	_ =	shalt  }
0x6c: {  	_ =	shalt  }
0x6d: {  	_ =	shalt  }
0x6e: {  	_ =	shalt  }
0x6f: {  	_ =	shalt  }
0x70: {  	_ =	shalt  }
0x71: {  	_ =	shalt  }
0x72: {  	_ =	shalt  }
0x73: {  	_ =	shalt  }
0x74: {  	_ =	shalt  }
0x75: {  	_ =	shalt  }
0x76: {  	_ =	shalt  }
0x77: {  	_ =	shalt  }
0x78: {  	_ =	shalt  }
0x79: {  	_ =	shalt  }
0x7a: {  	_ =	shalt  }
0x7b: {  	_ =	shalt  }
0x7c: {  	_ =	shalt  }
0x7d: {  	_ =	shalt  }
0x7e: {  	_ =	shalt  }
0x7f: {  	_ =	shalt  }
0x80: {  	_ =	shalt  }
0x81: {  	_ =	shalt  }
0x82: {  	_ =	shalt  }
0x83: {  	_ =	shalt  }
0x84: {  	_ =	shalt  }
0x85: {  	_ =	shalt  }
0x86: {  	_ =	shalt  }
0x87: {  	_ =	shalt  }
.Lfunc_end0:
.L_simem_size_0:
called_computation_lowered:
.L_overlay_start_0:
0x88: {  	s2 =	sld [smem:$0x3FD9]  }
0x89: {  	s3 =	sld [smem:$0x3FFE];
	_ =	sdelay $0x1  }
0x8a: {  	s1 =	srdreg.scid  }
0x8b: {  	s0 =	sand.u32 $0x1, s1  }
0x8c: {  	s14 =	sshll.u32 s0, $0xA;
	s2 =	sadd.s32 s3, s2  }
0x8d: {  	s2 =	sadd.s32 s2, s14  }
0x8e: {  	[smem:$0x3FC0] =	sst s2  }
0x8f: {  	_ = 	snop  }
0x90: {  	s2 =	sld [smem:$0x3FD0];
	_ =	sdelay $0x2  }
0x91: {  	s15 =	simm.s32 $0xA;
	s4 =	simm.s32 $0x10  }
0x92: {  	[smem:s4], [sflag:s15] =	dma.local [hbm:s2], $0x1  }
0x93: {  	_ =	swait.eq [sflag:s15], $0x1  }
0x94: {  	[sflag:s15] =	ssyncset.done $0x0  }
0x95: {  	[sflag:s15] =	ssyncadd.s32 $0xFFFFFFFF  }
0x96: {  	s16 =	sld [smem:$0x10];
	(tm) =	ssettm $0x1  }
0x97: {  	s17 =	sld [smem:$0x3FFB];
	_ =	sdelay $0x3  }
0x98: {  	_ =	strace s17  }
0x99: {  	s3 =	sld [smem:$0x3FFC];
	_ =	sdelay $0x3  }
0x9a: {  	_ =	strace s3  }
0x9b: {  	s3 =	sld [smem:$0x3FFD];
	_ =	sdelay $0x3  }
0x9c: {  	_ =	strace s3  }
0x9d: {  	_ =	strace $0x8FFFFFFF  }
0x9e: {  	s18 =	sld [smem:$0x3FDB];
	_ =	sdelay $0x1  }
0x9f: {  	s19 =	simm.s32 $_scs_section_size  }
0xa0: {  	s5 =	simm.s32 $_size__tile_overlayer_lowered;
	s6 =	simm.s32 $_tile_overlayer_lowered  }
0xa1: {  	s22 =	simm.s32 $0x1BFF;
	s21 =	sshll.u32 s6, $0x1;
	s3 =	sadd.s32 s19, s18  }
0xa2: {  	s7 =	simm.s32 $0x0;
	s20 =	sshll.u32 s5, $0x1;
	s5 =	sadd.s32 s21, s3  }
0xa3: {  	[timem:s7], [sflag:s22] =	dma.local [hbm:s5], s20  }
0xa4: {  	_ =	swait.ge [sflag:s22], s20  }
0xa5: {  	s4 =	ssub.s32 $0x0, s20;
	[sflag:s22] =	ssyncset.done $0x0  }
0xa6: {  	[sflag:s22] =	ssyncadd.s32 s4;
	_ =	sdelay $0x1  }
0xa7: {  	s23 =	simm.s32 $0x1B8B  }
0xa8: {  	_ =	swait.ge [sflag:s23], $0x1  }
0xa9: {  	[sflag:s23] =	ssyncset.done $0x0  }
0xaa: {  	s25 =	simm.s32 $0x1B8E;
	s24 =	sld [smem:$0x3FFE];
	[sflag:s23] =	ssyncadd.s32 $0xFFFFFFFF  }
0xab: {  	s26 =	simm.s32 $execute0_lowered;
	[smem:$0x3FD2] =	sst s25  }
0xac: {  	s5 =	sshll.u32 s26, $0x1;
	_ =	strace $0x80000046;
	[dreg:$0x1] =	wrdreg $0xFFFFFFFF  }
0xad: {  	s28 =	simm.s32 $_size_execute0_lowered;
	s3 =	sadd.s32 s3, s5;
	[dreg:$0x0] =	wrdreg $0x0  }
0xae: {  	s5 =	sshll.u32 s28, $0x1;
	[dreg:$0x2] =	wrdreg s3  }
0xaf: {  	[dreg:$0x3] =	wrdreg s5  }
0xb0: {  	[dreg:$0x4] =	wrdreg $0xC0  }
0xb1: {  	_ =	task [dreg:s7], $0x5FFFF  }
0xb2: {  	[dreg:$0x1] =	wrdreg $0xFFFFFFFF  }
0xb3: {  	[dreg:$0x0] =	wrdreg $0x60  }
0xb4: {  	[dreg:$0x2] =	wrdreg s24  }
0xb5: {  	[dreg:$0x3] =	wrdreg s16  }
0xb6: {  	[dreg:$0x4] =	wrdreg $0x9  }
0xb7: {  	_ =	task.clear_ibuf [dreg:s7], $0x5FFFF;
	_ =	strace $0x90000046  }
0xb8: {  	s29 =	simm.s32 $0x9;
	_ =	strace $0x80000048  }
0xb9: {  	_ =	swait.ge [sflag:s29], $0x1  }
0xba: {  	[sflag:s29] =	ssyncadd.s32 $0xFFFFFFFF  }
0xbb: {  	_ =	strace $0x90000048  }
0xbc: {  	_ =	sfence  }
0xbd: {  	s30 =	sld [smem:$0x0];
	_ =	sdelay $0x2  }
0xbe: {  	s31 =	sshll.u32 s1, $0xD;
	s1 =	sshrl.u32 s1, $0x2  }
0xbf: {  	s3 =	sand.u32 $0x4000, s31;
	s1 =	sadd.s32 s1, s30  }
0xc0: {  	s0 =	sor.u32 s3, s0;
	s1 =	sshll.u32 s1, $0x11  }
0xc1: {  	s0 =	sor.u32 s1, s0  }
0xc2: {  	s0 =	sadd.s32 $0x8F2B, s0  }
0xc3: {  	[sflag:s0] =	ssyncadd.remote.s32 $0x1  }
0xc4: {  	_ =	sfence.sel $0xFFFF  }
0xc5: {  	[dreg:$0x0] =	wrdreg $0xFFFFFFFF;
	(pc) =	sbr.abs _section_cstart, $3  }
0xc6: {  	[dreg:$0x1] =	wrdreg $0xFFFFFFFF  }
0xc7: {  	_ =	task.clear_ibuf [dreg:s7], $0x2FFFF;
	_ =	strace $0x9FFFFFFF  }
0xc8: {  	(tm) =	ssettm $0x7FFFFFFF  }
0xc9: {  	_ =	shalt  }
tec
execute0_lowered:
.L_overlay_start_1:
0x0: {  	(tag) =	ssettag $0x1  }
0x1: {  	s0 =	rddreg [dreg:$0x0]  }
0x2: {  	s1 =	rddreg [dreg:$0x1];
	s2 =	simm.s32 $0x0;
	s8 =	srdreg.scid  }
0x3: {  	s3 =	stileid.u32;
	s15 =	simm.s32 $0x4280;
	s16 =	simm.s32 $0x3  }
0x4: {  	s17 =	simm.s32 $0x4680;
	s18 =	simm.s32 $0x80;
	s19 =	simm.s32 $0x100  }
0x5: {  	s20 =	simm.s32 $0x2100;
	s21 =	simm.s32 $0x1;
	s22 =	simm.s32 $0x2  }
0x6: {  	s23 =	simm.s32 $0x4200;
	s24 =	simm.s32 $0x4690;
	s25 =	simm.s32 $0x0  }
0x7: {  	[smem:$0x7FF] =	sst s2;
	s4 =	sadd.s32 $0x14600, s0;
	s5 =	sadd.s32 $0xC00, s0  }
0x8: {  	s6 =	sadd.s32 $0x28000, s0;
	s7 =	sadd.s32 $0x2D200, s0;
	s11 =	sand.u32 $0x1, s8  }
0x9: {  	s10 =	sshll.u32 s3, $0x1;
	s8 =	sadd.s32 $0x32200, s0;
	s9 =	sadd.s32 $0x2D000, s0  }
0xa: {  	v0 =	vlaneseq.u32;
	_ =	strace $0x80000047;
	s12 =	sor.u32 s11, s10;
	s14 =	ssub.s32 $0x2, s11  }
0xb: {  	v1 =	vmul.u32 $0x40, v0;
	s10 =	sadd.s32 $0x37200, s0;
	s13 =	sshll.u32 s12, $0x1;
	s31 =	sshrl.u32 s14, $0x1  }
0xc: {  	s11 =	sadd.s32 $0x37400, s0;
	s0 =	sadd.s32 s13, s0;
	s14 =	ssub.s32 s14, s31  }
0xd: {  	s12 =	smul.u32 $0x1400, s12;
	[tilespmem:$0x1FFF0] =	vst v1;
	s13 =	sadd.s32 $0x3C400, s0;
	s14 =	smax.u32 s14, $0x1  }
.LBB2_1:
0xe: {  	[tilespmem:s15], [sflag:$0x3] =	stream.linear.gather [hbm4b:s9+s2], $0x400, $0x38;
	[tilespmem:$0x46A0] =	vst v63  }
0xf: {  	_ =	swait.ge [sflag:s16], $0x400  }
0x10: {  	[sflag:s16] =	ssyncset.done $0x0  }
0x11: {  	[sflag:s16] =	ssyncadd.s32 $0xFFFFFC00  }
0x12: {  	[tilespmem:s17], [sflag:$0x3] =	stream.linear.gather [hbm4b:s10+s2], $0x10, $0x38;
	[tilespmem:$0x46A0] =	vst v63  }
0x13: {  	_ =	swait.ge [sflag:s16], $0x10  }
0x14: {  	[sflag:s16] =	ssyncset.done $0x0  }
0x15: {  	[sflag:s16] =	ssyncadd.s32 $0xFFFFFFF0  }
0x16: {  	v3 =	vld [tilespmem:$0x4680];
	_ =	sdelay $0x2  }
0x17: {  	v0 =	vimm.f32 $0.0e+00  }
0x18: {  	[tilespmem:$0x4690] =	vst v0  }
0x19: {  	s26 =	simm.s32 $0x0;
	[tilespmem:$0x1FFE0] =	vst v3  }
.LBB2_2:
0x1a: {  	s0 =	sshll.u32 s26, $0x7  }
0x1b: {  	s0 =	sadd.s32 s12, s0  }
0x1c: {  	s28 =	sshrl.u32 s0, $0x3  }
0x1d: {  	s29 =	simm.s32 $0x0;
	s0 =	sadd.s32 s1, s28  }
0x1e: {  	[tilespmem:s29], [sflag:$0x3] =	stream.linear.gather [hbm4b:s0+s29], $0x80, $0x38;
	[tilespmem:$0x46A0] =	vst v63  }
0x1f: {  	_ =	swait.ge [sflag:s16], $0x80  }
0x20: {  	[sflag:s16] =	ssyncset.done $0x0  }
0x21: {  	s0 =	sadd.s32 s6, s28;
	[sflag:s16] =	ssyncadd.s32 $0xFFFFFF80  }
0x22: {  	[tilespmem:s18], [sflag:$0x3] =	stream.linear.gather [hbm4b:s0+s29], $0x80, $0x38;
	[tilespmem:$0x46A0] =	vst v63  }
0x23: {  	_ =	swait.ge [sflag:s16], $0x80  }
0x24: {  	[sflag:s16] =	ssyncset.done $0x0  }
0x25: {  	s30 =	simm.s32 $0x4100;
	s0 =	sadd.s32 s7, s28;
	[sflag:s16] =	ssyncadd.s32 $0xFFFFFF80  }
0x26: {  	[tilespmem:s30], [sflag:$0x3] =	stream.linear.gather [hbm4b:s0+s29], $0x80, $0x38;
	[tilespmem:$0x46A0] =	vst v63  }
0x27: {  	_ =	swait.ge [sflag:s16], $0x80  }
0x28: {  	[sflag:s16] =	ssyncset.done $0x0  }
0x29: {  	s31 =	simm.s32 $0x4180;
	s0 =	sadd.s32 s8, s28;
	[sflag:s16] =	ssyncadd.s32 $0xFFFFFF80  }
0x2a: {  	[tilespmem:s31], [sflag:$0x3] =	stream.linear.gather [hbm4b:s0+s29], $0x80, $0x38;
	[tilespmem:$0x46A0] =	vst v63  }
0x2b: {  	_ =	swait.ge [sflag:s16], $0x80  }
0x2c: {  	[sflag:s16] =	ssyncset.done $0x0  }
0x2d: {  	[sflag:s16] =	ssyncadd.s32 $0xFFFFFF80  }
0x2e: {  	[tilespmem:s19], [sflag:$0x1] =	stream.indirect.gather [hbm4b:s4+s18], $0x40, s29, s18, $0xb8;
	[tilespmem:$0x46A0] =	vst v63  }
0x2f: {  	_ = 	snop  }
0x30: {  	[tilespmem:s20], [sflag:$0x2] =	stream.indirect.gather [hbm4b:s5+s18], $0x40, s18, s18, $0xb8;
	[tilespmem:$0x46A0] =	vst v63  }
0x31: {  	_ =	swait.ge [sflag:s21], $0x2000  }
0x32: {  	[sflag:s21] =	ssyncset.done $0x0  }
0x33: {  	[sflag:s21] =	ssyncadd.s32 $0xFFFFE000  }
0x34: {  	_ =	swait.ge [sflag:s22], $0x2000  }
0x35: {  	[sflag:s22] =	ssyncset.done $0x0  }
0x36: {  	s0 =	simm.s32 $0x4200;
	[sflag:s22] =	ssyncadd.s32 $0xFFFFE000  }
.LBB2_3:
0x37: {  	_ =	sdelay $0x1  }
0x38: {  	v0 =	vmov s29  }
0x39: {  	v0 =	vshll.u32 v0, $0x6  }
0x3a: {  	v3 =	vor.u32 v1, v0  }
0x3b: {  	v0 =	vor.u32 $0x1, v3;
	_ =	sdelay $0x1  }
0x3c: {  	v12 =	vor.u32 $0x7, v3;
	_ =	sdelay $0x1  }
0x3d: {  	v15 =	vor.u32 $0x9, v3  }
0x3e: {  	v21 =	vld.idx.msk [tilespmem:v0+s19+$0x0], $0xffff  }
0x3f: {  	v6 =	vor.u32 $0xA, v3;
	v19 =	vld.idx.msk [tilespmem:v0+s20+$0x0], $0xffff  }
0x40: {  	v32 =	vld.idx.msk [tilespmem:v12+s19+$0x0], $0xffff  }
0x41: {  	v0 =	vor.u32 $0x4, v3;
	v30 =	vld.idx.msk [tilespmem:v12+s20+$0x0], $0xffff  }
0x42: {  	v31 =	vld.idx.msk [tilespmem:v15+s19+$0x0], $0xffff  }
0x43: {  	v47 =	vor.u32 $0x18, v3;
	v29 =	vld.idx.msk [tilespmem:v15+s20+$0x0], $0xffff  }
0x44: {  	v15 =	vld.idx.msk [tilespmem:v6+s19+$0x0], $0xffff  }
0x45: {  	v12 =	vld.idx.msk [tilespmem:v6+s20+$0x0], $0xffff  }
0x46: {  	v13 =	vld.idx.msk [tilespmem:v0+s19+$0x0], $0xffff  }
0x47: {  	v10 =	vld.idx.msk [tilespmem:v0+s20+$0x0], $0xffff  }
0x48: {  	v6 =	vor.u32 $0x1B, v3;
	v0 =	vld.idx.msk [tilespmem:v47+s19+$0x0], $0xffff  }
0x49: {  	v2 =	vor.u32 $0x3, v3  }
0x4a: {  	v7 =	vor.u32 $0x13, v3;
	_ =	sdelay $0x1  }
0x4b: {  	v8 =	vor.u32 $0x14, v3  }
0x4c: {  	[tilespmem:$0x1FD70] =	vst v0;
	v0 =	vld.idx.msk [tilespmem:v6+s19+$0x0], $0xffff  }
0x4d: {  	v38 =	vld.idx.msk [tilespmem:v2+s19+$0x0], $0xffff  }
0x4e: {  	v45 =	vor.u32 $0x16, v3;
	v52 =	vld.idx.msk [tilespmem:v7+s19+$0x0], $0xffff  }
0x4f: {  	v54 =	vld.idx.msk [tilespmem:v7+s20+$0x0], $0xffff  }
0x50: {  	v46 =	vor.u32 $0x17, v3;
	v57 =	vld.idx.msk [tilespmem:v8+s19+$0x0], $0xffff  }
0x51: {  	v7 =	vor.u32 $0x1C, v3;
	[tilespmem:$0x1FD80] =	vst v0;
	v0 =	vld.idx.msk [tilespmem:v6+s20+$0x0], $0xffff  }
0x52: {  	v59 =	vld.idx.msk [tilespmem:v8+s20+$0x0], $0xffff  }
0x53: {  	v56 =	vld.idx.msk [tilespmem:v45+s19+$0x0], $0xffff  }
0x54: {  	v4 =	vor.u32 $0x19, v3;
	v58 =	vld.idx.msk [tilespmem:v45+s20+$0x0], $0xffff  }
0x55: {  	v50 =	vld.idx.msk [tilespmem:v46+s19+$0x0], $0xffff  }
0x56: {  	[tilespmem:$0x1FD90] =	vst v0;
	v0 =	vld.idx.msk [tilespmem:v7+s19+$0x0], $0xffff  }
0x57: {  	v51 =	vld.idx.msk [tilespmem:v46+s20+$0x0], $0xffff  }
0x58: {  	v9 =	vor.u32 $0x15, v3;
	v45 =	vld.idx.msk [tilespmem:v47+s20+$0x0], $0xffff  }
0x59: {  	v46 =	vld.idx.msk [tilespmem:v4+s19+$0x0], $0xffff  }
0x5a: {  	v47 =	vld.idx.msk [tilespmem:v4+s20+$0x0], $0xffff;
	v4 =	vor.u32 $0x1F, v3  }
0x5b: {  	v8 =	vor.u32 $0x1D, v3;
	[tilespmem:$0x1FDA0] =	vst v0;
	v0 =	vld.idx.msk [tilespmem:v7+s20+$0x0], $0xffff  }
0x5c: {  	v36 =	vld.idx.msk [tilespmem:v2+s20+$0x0], $0xffff  }
0x5d: {  	v1 =	vor.u32 $0x2, v3;
	v53 =	vld.idx.msk [tilespmem:v9+s19+$0x0], $0xffff  }
0x5e: {  	v55 =	vld.idx.msk [tilespmem:v9+s20+$0x0], $0xffff  }
0x5f: {  	v9 =	vor.u32 $0x1E, v3;
	v2 =	vld.idx.msk [tilespmem:v4+s19+$0x0], $0xffff  }
0x60: {  	[tilespmem:$0x1FDB0] =	vst v0;
	v0 =	vld.idx.msk [tilespmem:v8+s19+$0x0], $0xffff;
	_ =	sdelay $0x1  }
0x61: {  	v5 =	vor.u32 $0x5, v3;
	v24 =	vld.idx.msk [tilespmem:v1+s19+$0x0], $0xffff  }
0x62: {  	v22 =	vld.idx.msk [tilespmem:v1+s20+$0x0], $0xffff  }
0x63: {  	v1 =	vld.idx.msk [tilespmem:v9+s19+$0x0], $0xffff;
	[tilespmem:$0x1FDE0] =	vst v2  }
0x64: {  	v2 =	vld.idx.msk [tilespmem:v4+s20+$0x0], $0xffff;
	[tilespmem:$0x1FDC0] =	vst v0;
	v0 =	vor.u32 $0x20, v3;
	_ =	sdelay $0x1  }
0x65: {  	v17 =	vld.idx.msk [tilespmem:v5+s19+$0x0], $0xffff  }
0x66: {  	v16 =	vld.idx.msk [tilespmem:v5+s20+$0x0], $0xffff;
	v5 =	vor.u32 $0x1A, v3  }
0x67: {  	[tilespmem:$0x1FDD0] =	vst v1  }
0x68: {  	v1 =	vor.u32 $0x21, v3;
	[tilespmem:$0x1FDF0] =	vst v2;
	v2 =	vld.idx.msk [tilespmem:v0+s19+$0x0], $0xffff;
	_ =	sdelay $0x2  }
0x69: {  	v48 =	vld.idx.msk [tilespmem:v5+s19+$0x0], $0xffff  }
0x6a: {  	v49 =	vld.idx.msk [tilespmem:v5+s20+$0x0], $0xffff  }
0x6b: {  	v5 =	vor.u32 $0x22, v3;
	[tilespmem:$0x1FE00] =	vst v2;
	v2 =	vld.idx.msk [tilespmem:v1+s19+$0x0], $0xffff;
	_ =	sdelay $0x3  }
0x6c: {  	v0 =	vld.idx.msk [tilespmem:v0+s20+$0x0], $0xffff  }
0x6d: {  	[tilespmem:$0x1FE20] =	vst v2;
	v2 =	vld.idx.msk [tilespmem:v5+s19+$0x0], $0xffff;
	_ =	sdelay $0x3  }
0x6e: {  	[tilespmem:$0x1FE10] =	vst v0;
	v1 =	vld.idx.msk [tilespmem:v1+s20+$0x0], $0xffff  }
0x6f: {  	v0 =	vor.u32 $0x23, v3;
	[tilespmem:$0x1FE40] =	vst v2;
	v2 =	vld.idx.msk [tilespmem:v5+s20+$0x0], $0xffff;
	_ =	sdelay $0x3  }
0x70: {  	[tilespmem:$0x1FE30] =	vst v1  }
0x71: {  	v1 =	vor.u32 $0x24, v3;
	[tilespmem:$0x1FE50] =	vst v2;
	v2 =	vld.idx.msk [tilespmem:v0+s19+$0x0], $0xffff;
	_ =	sdelay $0x4  }
0x72: {  	v6 =	vor.u32 $0x25, v3;
	[tilespmem:$0x1FE60] =	vst v2;
	v2 =	vld.idx.msk [tilespmem:v1+s19+$0x0], $0xffff;
	_ =	sdelay $0x3  }
0x73: {  	v0 =	vld.idx.msk [tilespmem:v0+s20+$0x0], $0xffff  }
0x74: {  	[tilespmem:$0x1FE80] =	vst v2;
	v2 =	vld.idx.msk [tilespmem:v6+s19+$0x0], $0xffff;
	_ =	sdelay $0x3  }
0x75: {  	[tilespmem:$0x1FE70] =	vst v0;
	v1 =	vld.idx.msk [tilespmem:v1+s20+$0x0], $0xffff  }
0x76: {  	v0 =	vor.u32 $0x26, v3;
	[tilespmem:$0x1FEA0] =	vst v2;
	v2 =	vld.idx.msk [tilespmem:v6+s20+$0x0], $0xffff;
	_ =	sdelay $0x3  }
0x77: {  	[tilespmem:$0x1FE90] =	vst v1  }
0x78: {  	v1 =	vor.u32 $0x27, v3;
	[tilespmem:$0x1FEB0] =	vst v2;
	v2 =	vld.idx.msk [tilespmem:v0+s19+$0x0], $0xffff;
	_ =	sdelay $0x4  }
0x79: {  	v7 =	vor.u32 $0x28, v3;
	[tilespmem:$0x1FEC0] =	vst v2;
	v2 =	vld.idx.msk [tilespmem:v1+s19+$0x0], $0xffff;
	_ =	sdelay $0x3  }
0x7a: {  	v0 =	vld.idx.msk [tilespmem:v0+s20+$0x0], $0xffff  }
0x7b: {  	[tilespmem:$0x1FEE0] =	vst v2;
	v2 =	vld.idx.msk [tilespmem:v7+s19+$0x0], $0xffff;
	_ =	sdelay $0x2  }
0x7c: {  	v11 =	vor.u32 $0x6, v3  }
0x7d: {  	[tilespmem:$0x1FED0] =	vst v0;
	v1 =	vld.idx.msk [tilespmem:v1+s20+$0x0], $0xffff  }
0x7e: {  	v0 =	vor.u32 $0x29, v3;
	[tilespmem:$0x1FF00] =	vst v2;
	v2 =	vld.idx.msk [tilespmem:v7+s20+$0x0], $0xffff  }
0x7f: {  	v14 =	vor.u32 $0x8, v3  }
0x80: {  	v34 =	vor.u32 $0x11, v3  }
0x81: {  	v18 =	vld.idx.msk [tilespmem:v11+s19+$0x0], $0xffff  }
0x82: {  	v11 =	vld.idx.msk [tilespmem:v11+s20+$0x0], $0xffff;
	[tilespmem:$0x1FEF0] =	vst v1  }
0x83: {  	v1 =	vor.u32 $0x2A, v3;
	[tilespmem:$0x1FF10] =	vst v2;
	v2 =	vld.idx.msk [tilespmem:v0+s19+$0x0], $0xffff  }
0x84: {  	v27 =	vld.idx.msk [tilespmem:v14+s19+$0x0], $0xffff  }
0x85: {  	v20 =	vor.u32 $0xB, v3;
	v62 =	vld.idx.msk [tilespmem:v34+s19+$0x0], $0xffff  }
0x86: {  	v63 =	vld.idx.msk [tilespmem:v34+s20+$0x0], $0xffff  }
0x87: {  	v34 =	vld.idx.msk [tilespmem:v8+s20+$0x0], $0xffff  }
0x88: {  	v8 =	vor.u32 $0x2B, v3;
	[tilespmem:$0x1FF20] =	vst v2;
	v2 =	vld.idx.msk [tilespmem:v1+s19+$0x0], $0xffff  }
0x89: {  	v23 =	vor.u32 $0xC, v3;
	v14 =	vld.idx.msk [tilespmem:v14+s20+$0x0], $0xffff  }
0x8a: {  	v37 =	vld.idx.msk [tilespmem:v20+s19+$0x0], $0xffff  }
0x8b: {  	v25 =	vor.u32 $0xD, v3;
	v20 =	vld.idx.msk [tilespmem:v20+s20+$0x0], $0xffff  }
0x8c: {  	v0 =	vld.idx.msk [tilespmem:v0+s20+$0x0], $0xffff  }
0x8d: {  	[tilespmem:$0x1FF40] =	vst v2;
	v2 =	vld.idx.msk [tilespmem:v8+s19+$0x0], $0xffff  }
0x8e: {  	v39 =	vld.idx.msk [tilespmem:v23+s19+$0x0], $0xffff  }
0x8f: {  	v26 =	vor.u32 $0xE, v3;
	v23 =	vld.idx.msk [tilespmem:v23+s20+$0x0], $0xffff  }
0x90: {  	v43 =	vld.idx.msk [tilespmem:v25+s19+$0x0], $0xffff  }
0x91: {  	v28 =	vor.u32 $0xF, v3;
	v41 =	vld.idx.msk [tilespmem:v25+s20+$0x0], $0xffff;
	[tilespmem:$0x1FF30] =	vst v0  }
0x92: {  	v0 =	vor.u32 $0x2C, v3;
	[tilespmem:$0x1FF60] =	vst v2;
	v2 =	vld.idx.msk [tilespmem:v8+s20+$0x0], $0xffff  }
0x93: {  	v1 =	vld.idx.msk [tilespmem:v1+s20+$0x0], $0xffff  }
0x94: {  	v40 =	vld.idx.msk [tilespmem:v26+s19+$0x0], $0xffff  }
0x95: {  	v33 =	vor.u32 $0x10, v3;
	v25 =	vld.idx.msk [tilespmem:v26+s20+$0x0], $0xffff  }
0x96: {  	v44 =	vld.idx.msk [tilespmem:v28+s19+$0x0], $0xffff  }
0x97: {  	v35 =	vor.u32 $0x12, v3;
	[tilespmem:$0x1FF70] =	vst v2;
	v2 =	vld.idx.msk [tilespmem:v0+s19+$0x0], $0xffff  }
0x98: {  	[tilespmem:$0x1FF50] =	vst v1;
	v1 =	vor.u32 $0x2D, v3;
	v0 =	vld.idx.msk [tilespmem:v0+s20+$0x0], $0xffff  }
0x99: {  	v28 =	vld.idx.msk [tilespmem:v28+s20+$0x0], $0xffff  }
0x9a: {  	v42 =	vld.idx.msk [tilespmem:v33+s19+$0x0], $0xffff  }
0x9b: {  	v26 =	vld.idx.msk [tilespmem:v33+s20+$0x0], $0xffff  }
0x9c: {  	v60 =	vld.idx.msk [tilespmem:v35+s19+$0x0], $0xffff  }
0x9d: {  	[tilespmem:$0x1FF90] =	vst v0;
	v0 =	vld.idx.msk [tilespmem:v1+s19+$0x0], $0xffff  }
0x9e: {  	v61 =	vld.idx.msk [tilespmem:v35+s20+$0x0], $0xffff  }
0x9f: {  	v33 =	vld [tilespmem:$0x4280]  }
0xa0: {  	v35 =	vld.idx.msk [tilespmem:v9+s20+$0x0], $0xffff  }
0xa1: {  	v19 =	vadd.f32 v19, v21;
	v21 =	vadd.f32 v22, v24;
	v22 =	vld [tilespmem:$0x4320]  }
0xa2: {  	v9 =	vor.u32 $0x2E, v3;
	[tilespmem:$0x1FFA0] =	vst v0;
	v0 =	vld.idx.msk [tilespmem:v1+s20+$0x0], $0xffff  }
0xa3: {  	v24 =	vadd.f32 v11, v18;
	v11 =	vld [tilespmem:$0x4340]  }
0xa4: {  	v18 =	vld [tilespmem:$0x4350]  }
0xa5: {  	v12 =	vadd.f32 v12, v15;
	v15 =	vld [tilespmem:$0x43B0]  }
0xa6: {  	v36 =	vadd.f32 v36, v38;
	v40 =	vadd.f32 v25, v40;
	v25 =	vld [tilespmem:$0x44D0]  }
0xa7: {  	v16 =	vadd.f32 v16, v17;
	[tilespmem:$0x1FFB0] =	vst v0;
	v0 =	vld.idx.msk [tilespmem:v9+s19+$0x0], $0xffff  }
0xa8: {  	v17 =	vmax.f32 v36, $0.0e+00;
	v36 =	vadd.f32 v23, v39;
	v39 =	vadd.f32 v41, v43;
	v23 =	vld [tilespmem:$0x4450]  }
0xa9: {  	v43 =	vadd.f32 v28, v44;
	v44 =	vadd.f32 v26, v42;
	v26 =	vld [tilespmem:$0x44B0]  }
0xaa: {  	v10 =	vadd.f32 v10, v13;
	v13 =	vld [tilespmem:$0x4310]  }
0xab: {  	v4 =	vld [tilespmem:$0x4290]  }
0xac: {  	[tilespmem:$0x1FFC0] =	vst v0;
	v0 =	vld.idx.msk [tilespmem:v9+s20+$0x0], $0xffff  }
0xad: {  	v5 =	vld [tilespmem:$0x42D0]  }
0xae: {  	v8 =	vld [tilespmem:$0x42B0]  }
0xaf: {  	[tilespmem:$0x1FF80] =	vst v2;
	v2 =	vld [tilespmem:$0x42C0]  }
0xb0: {  	v1 =	vld.idx.msk [tilespmem:v3+s20+$0x0], $0xffff  }
0xb1: {  	v16 =	vmax.f32 v16, $0.0e+00;
	[tilespmem:$0x1FFD0] =	vst v0;
	v0 =	vld.idx.msk [tilespmem:v3+s19+$0x0], $0xffff  }
0xb2: {  	v5 =	vmul.f32 v16, v5;
	v16 =	vld [tilespmem:$0x4360]  }
0xb3: {  	v6 =	vld [tilespmem:$0x42A0]  }
0xb4: {  	v7 =	vld [tilespmem:$0x42E0]  }
0xb5: {  	v10 =	vmax.f32 v10, $0.0e+00;
	v8 =	vmul.f32 v17, v8;
	v17 =	vld [tilespmem:$0x43A0]  }
0xb6: {  	v2 =	vmul.f32 v10, v2;
	v10 =	vld [tilespmem:$0x4370];
	v0 =	vadd.f32 v1, v0  }
0xb7: {  	v9 =	vld [tilespmem:$0x4300]  }
0xb8: {  	v1 =	vld [tilespmem:$0x42F0];
	v0 =	vmax.f32 v0, $0.0e+00  }
0xb9: {  	v14 =	vadd.f32 v14, v27;
	v0 =	vmul.f32 v0, v33;
	v33 =	vmax.f32 v19, $0.0e+00;
	v19 =	vld [tilespmem:$0x4330]  }
0xba: {  	v12 =	vmax.f32 v12, $0.0e+00;
	v4 =	vmul.f32 v33, v4;
	v33 =	vmax.f32 v21, $0.0e+00;
	v21 =	vld [tilespmem:$0x4390]  }
0xbb: {  	v0 =	vadd.f32 $0.0e+00, v0;
	v6 =	vmul.f32 v33, v6;
	v33 =	vmul.f32 v12, v22;
	v12 =	vld [tilespmem:$0x43E0]  }
0xbc: {  	v14 =	vmax.f32 v14, $0.0e+00;
	v22 =	vld [tilespmem:$0x4410]  }
0xbd: {  	v0 =	vadd.f32 v2, v0;
	v2 =	vmax.f32 v24, $0.0e+00;
	v38 =	vadd.f32 $0.0e+00, v6;
	v6 =	vld [tilespmem:$0x4380]  }
0xbe: {  	v24 =	vadd.f32 v30, v32;
	v30 =	vadd.f32 v29, v31;
	v31 =	vmul.f32 v14, v9;
	v9 =	vld [tilespmem:$0x43C0]  }
0xbf: {  	v32 =	vadd.f32 v20, v37;
	v20 =	vld [tilespmem:$0x43D0]  }
0xc0: {  	v14 =	vld [tilespmem:$0x43F0]  }
0xc1: {  	v29 =	vadd.f32 v63, v62;
	v62 =	vld [tilespmem:$0x1FDB0]  }
0xc2: {  	v2 =	vmul.f32 v2, v7;
	v7 =	vmax.f32 v24, $0.0e+00;
	v24 =	vld [tilespmem:$0x4430]  }
0xc3: {  	v37 =	vmax.f32 v32, $0.0e+00;
	v32 =	vadd.f32 v61, v60;
	v60 =	vld [tilespmem:$0x1FD90]  }
0xc4: {  	v4 =	vadd.f32 $0.0e+00, v4;
	v61 =	vld [tilespmem:$0x1FDA0]  }
0xc5: {  	v2 =	vadd.f32 v2, v38;
	v38 =	vmul.f32 v37, v19;
	v37 =	vadd.f32 v54, v52;
	v52 =	vld [tilespmem:$0x1FD70]  }
0xc6: {  	v8 =	vadd.f32 $0.0e+00, v8;
	v63 =	vor.u32 $0x30, v3;
	v54 =	vadd.f32 v49, v48;
	v48 =	vld [tilespmem:$0x1FE20]  }
0xc7: {  	v4 =	vadd.f32 v5, v4;
	v1 =	vmul.f32 v7, v1;
	v7 =	vmax.f32 v36, $0.0e+00;
	v49 =	vld [tilespmem:$0x1FE30]  }
0xc8: {  	v5 =	vmax.f32 v30, $0.0e+00;
	v19 =	vmax.f32 v40, $0.0e+00;
	v41 =	vmul.f32 v7, v11;
	v11 =	vld [tilespmem:$0x4420]  }
0xc9: {  	v5 =	vmul.f32 v5, v13;
	v13 =	vmax.f32 v39, $0.0e+00;
	v28 =	vmul.f32 v19, v16;
	v16 =	vld [tilespmem:$0x4440]  }
0xca: {  	v27 =	vmul.f32 v13, v18;
	v18 =	vld [tilespmem:$0x4470]  }
0xcb: {  	v7 =	vmax.f32 v43, $0.0e+00;
	v1 =	vadd.f32 v1, v8;
	v8 =	vld [tilespmem:$0x4400]  }
0xcc: {  	v0 =	vadd.f32 v31, v0;
	v31 =	vmul.f32 v7, v10;
	v7 =	vld [tilespmem:$0x4460]  }
0xcd: {  	v2 =	vadd.f32 v33, v2;
	v33 =	vmax.f32 v29, $0.0e+00;
	v29 =	vld.idx.msk [tilespmem:v63+s20+$0x0], $0xffff  }
0xce: {  	v10 =	vmax.f32 v32, $0.0e+00;
	v36 =	vmul.f32 v33, v21;
	v21 =	vld [tilespmem:$0x4490]  }
0xcf: {  	v13 =	vmax.f32 v37, $0.0e+00;
	v39 =	vmul.f32 v10, v17;
	v17 =	vld [tilespmem:$0x44A0]  }
0xd0: {  	v40 =	vadd.f32 v55, v53;
	v13 =	vmul.f32 v13, v15;
	v15 =	vld [tilespmem:$0x44C0]  }
0xd1: {  	v33 =	vld [tilespmem:$0x1FDC0]  }
0xd2: {  	v30 =	vmax.f32 v44, $0.0e+00;
	v4 =	vadd.f32 v5, v4;
	v10 =	vmax.f32 v40, $0.0e+00;
	v40 =	vld [tilespmem:$0x1FDF0]  }
0xd3: {  	v0 =	vadd.f32 v41, v0;
	v41 =	vadd.f32 v58, v56;
	v10 =	vmul.f32 v10, v20;
	v20 =	vld [tilespmem:$0x4510]  }
0xd4: {  	v6 =	vmul.f32 v30, v6;
	v1 =	vadd.f32 v38, v1;
	v38 =	vadd.f32 v59, v57;
	v59 =	vld [tilespmem:$0x1FD80]  }
0xd5: {  	v2 =	vadd.f32 v28, v2;
	v28 =	vld [tilespmem:$0x4550]  }
0xd6: {  	v4 =	vadd.f32 v27, v4;
	v0 =	vadd.f32 v6, v0;
	v6 =	vld [tilespmem:$0x4480];
	v43 =	vmax.f32 v41, $0.0e+00  }
0xd7: {  	v44 =	vmul.f32 v43, v12;
	v12 =	vld [tilespmem:$0x44E0]  }
0xd8: {  	v4 =	vadd.f32 v36, v4;
	v36 =	vld [tilespmem:$0x1FDD0]  }
0xd9: {  	v2 =	vadd.f32 v39, v2;
	v39 =	vld [tilespmem:$0x1FDE0]  }
0xda: {  	v56 =	vor.u32 $0x2F, v3;
	v1 =	vadd.f32 v31, v1;
	v31 =	vld [tilespmem:$0x4570]  }
0xdb: {  	v19 =	vmax.f32 v38, $0.0e+00;
	v43 =	vld [tilespmem:$0x1FE00]  }
0xdc: {  	v9 =	vmul.f32 v19, v9;
	v19 =	vld [tilespmem:$0x4530]  }
0xdd: {  	v42 =	vadd.f32 v51, v50;
	v4 =	vadd.f32 v10, v4;
	v10 =	vld [tilespmem:$0x44F0]  }
0xde: {  	v1 =	vadd.f32 v13, v1;
	v13 =	vld [tilespmem:$0x4500]  }
0xdf: {  	v50 =	vmax.f32 v42, $0.0e+00;
	v27 =	vld.idx.msk [tilespmem:v56+s20+$0x0], $0xffff  }
0xe0: {  	v51 =	vmul.f32 v50, v14;
	v2 =	vadd.f32 v44, v2;
	v44 =	vld [tilespmem:$0x1FE10]  }
0xe1: {  	v58 =	vmax.f32 v54, $0.0e+00;
	v0 =	vadd.f32 v9, v0;
	v9 =	vadd.f32 v45, v52;
	v52 =	vld [tilespmem:$0x1FE50]  }
0xe2: {  	v37 =	vor.u32 $0x31, v3;
	v11 =	vmul.f32 v58, v11;
	v14 =	vadd.f32 v60, v59;
	v59 =	vld [tilespmem:$0x1FE60]  }
0xe3: {  	v54 =	vor.u32 $0x33, v3;
	v60 =	vld [tilespmem:$0x1FE70]  }
0xe4: {  	v2 =	vadd.f32 v11, v2;
	v11 =	vld [tilespmem:$0x4560]  }
0xe5: {  	v53 =	vadd.f32 v47, v46;
	v1 =	vadd.f32 v51, v1;
	v51 =	vld [tilespmem:$0x1FE40]  }
0xe6: {  	v55 =	vmax.f32 v9, $0.0e+00;
	v9 =	vld [tilespmem:$0x4520]  }
0xe7: {  	v57 =	vmax.f32 v53, $0.0e+00;
	v32 =	vmax.f32 v14, $0.0e+00;
	v14 =	vadd.f32 v34, v33;
	v33 =	vld.idx.msk [tilespmem:v37+s19+$0x0], $0xffff  }
0xe8: {  	v45 =	vor.u32 $0x32, v3;
	v34 =	vld.idx.msk [tilespmem:v54+s19+$0x0], $0xffff;
	v5 =	vmul.f32 v55, v8;
	v8 =	vmul.f32 v57, v22  }
0xe9: {  	v22 =	vld [tilespmem:$0x4540]  }
0xea: {  	v4 =	vadd.f32 v8, v4;
	v8 =	vmul.f32 v32, v24;
	v24 =	vld.idx.msk [tilespmem:v56+s19+$0x0], $0xffff  }
0xeb: {  	v0 =	vadd.f32 v5, v0;
	v5 =	vadd.f32 v62, v61;
	v61 =	vld [tilespmem:$0x1FE80]  }
0xec: {  	v62 =	vld [tilespmem:$0x1FE90]  }
0xed: {  	v38 =	vmax.f32 v14, $0.0e+00;
	v14 =	vadd.f32 v40, v39;
	v30 =	vld.idx.msk [tilespmem:v45+s20+$0x0], $0xffff  }
0xee: {  	v41 =	vmul.f32 v38, v23;
	v23 =	vadd.f32 v44, v43;
	v43 =	vld [tilespmem:$0x1FEB0]  }
0xef: {  	v14 =	vmax.f32 v14, $0.0e+00;
	v1 =	vadd.f32 v8, v1;
	v8 =	vld [tilespmem:$0x4580]  }
0xf0: {  	v47 =	vmul.f32 v14, v18;
	v14 =	vadd.f32 v49, v48;
	v50 =	vmax.f32 v23, $0.0e+00;
	v48 =	vld [tilespmem:$0x1FEF0]  }
0xf1: {  	v5 =	vmax.f32 v5, $0.0e+00;
	v53 =	vmul.f32 v50, v6;
	v6 =	vld.idx.msk [tilespmem:v37+s20+$0x0], $0xffff  }
0xf2: {  	v23 =	vadd.f32 v52, v51;
	v5 =	vmul.f32 v5, v16;
	v16 =	vadd.f32 v35, v36;
	v36 =	vld [tilespmem:$0x45B0]  }
0xf3: {  	v37 =	vld [tilespmem:$0x45D0]  }
0xf4: {  	v56 =	vmax.f32 v23, $0.0e+00;
	v23 =	vld [tilespmem:$0x4590]  }
0xf5: {  	v55 =	vmax.f32 v14, $0.0e+00;
	v14 =	vld.idx.msk [tilespmem:v45+s19+$0x0], $0xffff  }
0xf6: {  	v45 =	vld [tilespmem:$0x1FEC0]  }
0xf7: {  	v1 =	vadd.f32 v47, v1;
	v47 =	vld [tilespmem:$0x1FEE0]  }
0xf8: {  	v42 =	vmax.f32 v16, $0.0e+00;
	v16 =	vld.idx.msk [tilespmem:v63+s19+$0x0], $0xffff  }
0xf9: {  	v0 =	vadd.f32 v5, v0;
	v5 =	vld [tilespmem:$0x45A0]  }
0xfa: {  	v57 =	vmul.f32 v55, v21;
	v55 =	vld [tilespmem:$0x1FF10]  }
0xfb: {  	v58 =	vmul.f32 v56, v17;
	v56 =	vld [tilespmem:$0x1FF20]  }
0xfc: {  	v21 =	vadd.f32 v62, v61;
	v61 =	vld [tilespmem:$0x1FF40]  }
0xfd: {  	v52 =	vor.u32 $0x36, v3;
	v17 =	vadd.f32 v60, v59;
	v62 =	vld [tilespmem:$0x1FF50]  }
0xfe: {  	v46 =	vmul.f32 v42, v7;
	v42 =	vld [tilespmem:$0x1FEA0]  }
0xff: {  	v4 =	vadd.f32 v41, v4;
	v63 =	vor.u32 $0x34, v3;
	v40 =	vmax.f32 v17, $0.0e+00;
	v17 =	vld.idx.msk [tilespmem:v54+s20+$0x0], $0xffff  }
0x100: {  	v44 =	vor.u32 $0x35, v3;
	v54 =	vld [tilespmem:$0x1FF00]  }
0x101: {  	v4 =	vadd.f32 v57, v4;
	v41 =	vmax.f32 v21, $0.0e+00;
	v57 =	vld [tilespmem:$0x1FF30]  }
0x102: {  	v0 =	vadd.f32 v53, v0;
	v32 =	vld.idx.msk [tilespmem:v52+s20+$0x0], $0xffff;
	v15 =	vmul.f32 v41, v15  }
0x103: {  	v2 =	vadd.f32 v46, v2;
	v7 =	vmul.f32 v40, v26;
	v46 =	vld [tilespmem:$0x1FED0]  }
0x104: {  	v35 =	vadd.f32 v48, v47;
	v0 =	vadd.f32 v15, v0;
	v15 =	vld.idx.msk [tilespmem:v63+s19+$0x0], $0xffff  }
0x105: {  	v1 =	vadd.f32 v7, v1;
	v7 =	vld.idx.msk [tilespmem:v44+s20+$0x0], $0xffff  }
0x106: {  	v51 =	vmax.f32 v35, $0.0e+00;
	v35 =	vld.idx.msk [tilespmem:v44+s19+$0x0], $0xffff  }
0x107: {  	v21 =	vadd.f32 v43, v42;
	v42 =	vld [tilespmem:$0x1FF60]  }
0x108: {  	v43 =	vld [tilespmem:$0x1FF70]  }
0x109: {  	v2 =	vadd.f32 v58, v2;
	v58 =	vor.u32 $0x37, v3;
	v44 =	vld [tilespmem:$0x1FF80]  }
0x10a: {  	v10 =	vmul.f32 v51, v10;
	v51 =	vld [tilespmem:$0x1FFA0]  }
0x10b: {  	v26 =	vadd.f32 v46, v45;
	v21 =	vmax.f32 v21, $0.0e+00;
	v45 =	vld [tilespmem:$0x1FF90]  }
0x10c: {  	v49 =	vmul.f32 v21, v25;
	v21 =	vadd.f32 v55, v54;
	v54 =	vld [tilespmem:$0x1FFD0]  }
0x10d: {  	v50 =	vmax.f32 v26, $0.0e+00;
	v26 =	vld.idx.msk [tilespmem:v63+s20+$0x0], $0xffff  }
0x10e: {  	v1 =	vadd.f32 v10, v1;
	v10 =	vld.idx.msk [tilespmem:v58+s20+$0x0], $0xffff  }
0x10f: {  	v53 =	vmul.f32 v50, v12;
	v12 =	vld [tilespmem:$0x45C0]  }
0x110: {  	v46 =	vor.u32 $0x38, v3;
	v25 =	vadd.f32 v57, v56;
	v59 =	vmax.f32 v21, $0.0e+00;
	v21 =	vld.idx.msk [tilespmem:v52+s19+$0x0], $0xffff  }
0x111: {  	v52 =	vld [tilespmem:$0x1FFB0]  }
0x112: {  	v60 =	vmax.f32 v25, $0.0e+00;
	v25 =	vadd.f32 v62, v61;
	v62 =	vld [tilespmem:$0x4610]  }
0x113: {  	v6 =	vadd.f32 v6, v33;
	v63 =	vmul.f32 v60, v20;
	v20 =	vadd.f32 v43, v42;
	v42 =	vld [tilespmem:$0x4620]  }
0x114: {  	v16 =	vadd.f32 v29, v16;
	v57 =	vor.u32 $0x3A, v3;
	v2 =	vadd.f32 v53, v2;
	v53 =	vld [tilespmem:$0x1FFC0]  }
0x115: {  	v24 =	vadd.f32 v27, v24;
	v40 =	vor.u32 $0x3C, v3;
	v6 =	vmax.f32 v6, $0.0e+00;
	v55 =	vld.idx.msk [tilespmem:v46+s19+$0x0], $0xffff  }
0x116: {  	v33 =	vadd.f32 v30, v14;
	v6 =	vmul.f32 v6, v23;
	v16 =	vmax.f32 v16, $0.0e+00;
	v56 =	vld.idx.msk [tilespmem:v46+s20+$0x0], $0xffff  }
0x117: {  	v41 =	vadd.f32 v17, v34;
	v8 =	vmul.f32 v16, v8;
	v4 =	vadd.f32 v49, v4;
	v46 =	vld [tilespmem:$0x4630]  }
0x118: {  	v50 =	vor.u32 $0x39, v3;
	v7 =	vadd.f32 v7, v35;
	v47 =	vmax.f32 v20, $0.0e+00;
	v20 =	vld [tilespmem:$0x45E0]  }
0x119: {  	v61 =	vor.u32 $0x3B, v3;
	v13 =	vmul.f32 v59, v13;
	v4 =	vadd.f32 v63, v4;
	v63 =	vld.idx.msk [tilespmem:v57+s19+$0x0], $0xffff  }
0x11a: {  	v25 =	vmax.f32 v25, $0.0e+00;
	v38 =	vadd.f32 v45, v44;
	v7 =	vmax.f32 v7, $0.0e+00;
	v39 =	vld.idx.msk [tilespmem:v57+s20+$0x0], $0xffff  }
0x11b: {  	v0 =	vadd.f32 v13, v0;
	v9 =	vmul.f32 v25, v9;
	v13 =	vmul.f32 v47, v19;
	v19 =	vld.idx.msk [tilespmem:v58+s19+$0x0], $0xffff  }
0x11c: {  	v59 =	vmax.f32 v24, $0.0e+00;
	v45 =	vor.u32 $0x3D, v3;
	v7 =	vmul.f32 v7, v37;
	v58 =	vld [tilespmem:$0x4600]  }
0x11d: {  	v48 =	vmax.f32 v38, $0.0e+00;
	v15 =	vadd.f32 v26, v15;
	v2 =	vadd.f32 v9, v2;
	v60 =	vld.idx.msk [tilespmem:v50+s19+$0x0], $0xffff  }
0x11e: {  	v49 =	vmul.f32 v48, v22;
	v18 =	vld.idx.msk [tilespmem:v50+s20+$0x0], $0xffff;
	v48 =	vor.u32 $0x3E, v3;
	v1 =	vadd.f32 v13, v1  }
0x11f: {  	v43 =	vld.idx.msk [tilespmem:v61+s19+$0x0], $0xffff;
	v3 =	vor.u32 $0x3F, v3;
	v13 =	vadd.f32 v52, v51;
	v51 =	vadd.f32 v32, v21  }
0x120: {  	v44 =	vld.idx.msk [tilespmem:v61+s20+$0x0], $0xffff;
	v15 =	vmax.f32 v15, $0.0e+00;
	v0 =	vadd.f32 v49, v0;
	v9 =	vadd.f32 v54, v53  }
0x121: {  	v22 =	vld [tilespmem:$0x45F0];
	v12 =	vmul.f32 v15, v12;
	v53 =	vadd.f32 v56, v55;
	v13 =	vmax.f32 v13, $0.0e+00  }
0x122: {  	v52 =	vld.idx.msk [tilespmem:v45+s19+$0x0], $0xffff;
	v13 =	vmul.f32 v13, v28;
	v9 =	vmax.f32 v9, $0.0e+00;
	v0 =	vadd.f32 v8, v0  }
0x123: {  	v54 =	vld.idx.msk [tilespmem:v45+s20+$0x0], $0xffff;
	v8 =	vmax.f32 v33, $0.0e+00;
	v10 =	vadd.f32 v10, v19;
	v14 =	vmax.f32 v53, $0.0e+00  }
0x124: {  	v47 =	vld.idx.msk [tilespmem:v40+s19+$0x0], $0xffff;
	v9 =	vmul.f32 v9, v11;
	v11 =	vmul.f32 v59, v31;
	v18 =	vadd.f32 v18, v60  }
0x125: {  	v49 =	vld.idx.msk [tilespmem:v40+s20+$0x0], $0xffff;
	v5 =	vmul.f32 v8, v5;
	v8 =	vadd.f32 v44, v43;
	v4 =	vadd.f32 v13, v4  }
0x126: {  	v55 =	vld.idx.msk [tilespmem:v48+s19+$0x0], $0xffff;
	v14 =	vmul.f32 v14, v58;
	v0 =	vadd.f32 v12, v0;
	v2 =	vadd.f32 v9, v2  }
0x127: {  	v56 =	vld.idx.msk [tilespmem:v48+s20+$0x0], $0xffff;
	v10 =	vmax.f32 v10, $0.0e+00;
	v1 =	vadd.f32 v11, v1;
	v9 =	vadd.f32 v39, v63  }
0x128: {  	v57 =	vld.idx.msk [tilespmem:v3+s19+$0x0], $0xffff;
	v10 =	vmul.f32 v10, v22;
	v18 =	vmax.f32 v18, $0.0e+00;
	v12 =	vadd.f32 v54, v52  }
0x129: {  	v3 =	vld.idx.msk [tilespmem:v3+s20+$0x0], $0xffff;
	v8 =	vmax.f32 v8, $0.0e+00;
	v4 =	vadd.f32 v6, v4;
	v6 =	vmax.f32 v41, $0.0e+00  }
0x12a: {  	v59 =	vld [tilespmem:$0x4650];
	v58 =	vmul.f32 v18, v62;
	v0 =	vadd.f32 v14, v0;
	v8 =	vmul.f32 v8, v46  }
0x12b: {  	v50 =	vld [tilespmem:$0x4640];
	v6 =	vmul.f32 v6, v36;
	v2 =	vadd.f32 v5, v2;
	v9 =	vmax.f32 v9, $0.0e+00  }
0x12c: {  	v60 =	vld [tilespmem:$0x4660];
	v5 =	vadd.f32 v49, v47;
	v62 =	vmax.f32 v12, $0.0e+00;
	v4 =	vadd.f32 v7, v4  }
0x12d: {  	v61 =	vld [tilespmem:$0x4670];
	v7 =	vmax.f32 v51, $0.0e+00;
	v9 =	vmul.f32 v9, v42;
	v11 =	vadd.f32 v56, v55  }
0x12e: {  	v3 =	vadd.f32 v3, v57;
	v1 =	vadd.f32 v6, v1;
	v7 =	vmul.f32 v7, v20  }
0x12f: {  	v5 =	vmax.f32 v5, $0.0e+00;
	v6 =	vmul.f32 v62, v59;
	v4 =	vadd.f32 v58, v4  }
0x130: {  	v63 =	vmax.f32 v11, $0.0e+00;
	v2 =	vadd.f32 v7, v2;
	v1 =	vadd.f32 v10, v1  }
0x131: {  	v5 =	vmul.f32 v5, v50;
	v3 =	vmax.f32 v3, $0.0e+00;
	v7 =	vmul.f32 v63, v60  }
0x132: {  	v3 =	vmul.f32 v3, v61;
	v2 =	vadd.f32 v9, v2;
	v1 =	vadd.f32 v8, v1  }
0x133: {  	v0 =	vadd.f32 v5, v0;
	v4 =	vadd.f32 v6, v4  }
0x134: {  	v2 =	vadd.f32 v7, v2;
	v1 =	vadd.f32 v3, v1  }
0x135: {  	v3 =	vld [tilespmem:$0x1FFE0]  }
0x136: {  	v0 =	vadd.f32 v4, v0;
	v1 =	vadd.f32 v1, v2  }
0x137: {  	v2 =	vld [tilespmem:s30+$0x0]  }
0x138: {  	v0 =	vadd.f32 v1, v0;
	_ =	sdelay $0x1  }
0x139: {  	v0 =	vadd.f32 v0, v3;
	_ =	sdelay $0x1  }
0x13a: {  	v0 =	vadd.f32 v0, v2;
	_ =	sdelay $0x1  }
0x13b: {  	v0 =	vadd.f32 v0, v0;
	_ =	sdelay $0x1  }
0x13c: {  	v0 =	vsub.f32 $0.0e+00, v0;
	_ =	sdelay $0x1  }
0x13d: {  	v0 =	vmul.f32 $1.442695020e+00, v0;
	_ =	sdelay $0x1  }
0x13e: {  	(erf) = vpow2.f32 v0;
	_ =	sdelay $0x8  }
0x13f: {  	v0 =	vpop (erf)  }
0x140: {  	v0 =	vadd.f32 $1.000000000e+00, v0;
	_ =	sdelay $0x1  }
0x141: {  	(erf) = vrcp.f32 v0;
	_ =	sdelay $0x4  }
0x142: {  	v0 =	vld [tilespmem:s31+$0x0];
	_ =	sdelay $0x3  }
0x143: {  	v1 =	vpop (erf)  }
0x144: {  	v0 =	vmul.f32 v1, v0;
	_ =	sdelay $0x1  }
0x145: {  	[tilespmem:s0+$0x0] =	vst v0  }
0x146: {  	v0 =	vld [tilespmem:$0x4690];
	_ =	sdelay $0x1  }
0x147: {  	p0 =	sne.s32 s29, $0x70  }
.Ltmp0:
0x148: {  	_ = 	snop;
	(pc) =	sbr.rel @p0 .LBB2_3-.Ltmp0, $4  }
0x149: {  	_ = 	snop  }
0x14a: {  	v0 =	vadd.f32 v1, v0  }
0x14b: {  	s29 =	sadd.s32 $0x10, s29  }
0x14c: {  	s30 =	sadd.s32 $0x10, s30;
	s31 =	sadd.s32 $0x10, s31;
	s0 =	sadd.s32 $0x10, s0;
	v1 =	vld [tilespmem:$0x1FFF0];
	[tilespmem:$0x4690] =	vst v0  }
0x14d: {  	s26 =	sadd.s32 $0x1, s26  }
0x14e: {  	p0 =	sne.s32 s26, $0x28  }
.Ltmp1:
0x14f: {  	s0 =	sadd.s32 s11, s28;
	(pc) =	sbr.rel @p0 .LBB2_2-.Ltmp1, $4  }
0x150: {  	[hbm4b:s0+s2] =	stream.linear.scatter [tilespmem:s23], [sflag:$0x3], $0x80, $0x38;
	[tilespmem:$0x46A0] =	vst v63  }
0x151: {  	_ =	swait.ge [sflag:s16], $0x80  }
0x152: {  	[sflag:s16] =	ssyncset.done $0x0  }
0x153: {  	[sflag:s16] =	ssyncadd.s32 $0xFFFFFF80  }
0x154: {  	s25 =	sadd.s32 $0x1, s25  }
0x155: {  	p0 =	sne.s32 s25, s14  }
.Ltmp2:
0x156: {  	_ = 	snop;
	(pc) =	sbr.rel @p0 .LBB2_1-.Ltmp2, $4  }
0x157: {  	[hbm4b:s13+s2] =	stream.linear.scatter [tilespmem:s24], [sflag:$0x3], $0x10, $0x38;
	[tilespmem:$0x46A0] =	vst v63  }
0x158: {  	_ =	swait.ge [sflag:s16], $0x10  }
0x159: {  	[sflag:s16] =	ssyncset.done $0x0  }
0x15a: {  	[sflag:s16] =	ssyncadd.s32 $0xFFFFFFF0  }
0x15b: {  	_ =	sfence.sel $0x180000  }
0x15c: {  	[bflag:$0x0] =	sbarrier.arrive $0xFFFF  }
0x15d: {  	_ =	strace $0x90000047  }
0x15e: {  	[bflag:$0x2] =	sbarrier.arrive $0xFFFF  }
0x15f: {  	p0 =	sne.s32 s3, $0x0;
	s0 =	rddreg [dreg:$0x2]  }
0x160: {  	s0 =	sadd.s32 @!p0 $0x100000, s0  }
0x161: {  	[sflag:s0] =	ssyncadd.tile.s32 @!p0 $0x1;
	_ =	shalt  }
.Lfunc_end2:
_tile_overlayer_lowered:
.L_overlay_start_2:
0x162: {  	(tag) =	ssettag $0x2  }
0x163: {  	s0 =	rddreg [dreg:$0x0];
	s2 =	stileid.u32  }
0x164: {  	s1 =	rddreg [dreg:$0x1];
	p0 =	sne.s32 s2, $0x0  }
0x165: {  	s3 =	rddreg [dreg:$0x2];
	[bflag:$0x3] =	sbarrier.arrive $0xFFFF;
	s2 =	simm.s32 @!p0 $0x1C03  }
0x166: {  	[timem:s3], [sflag:s2] =	dma.local @!p0 [hbm:s0], s1  }
0x167: {  	s0 =	simm.s32 @!p0 $0x3  }
0x168: {  	_ =	swait.ge @!p0 [sflag:s0], s1  }
0x169: {  	s1 =	ssub.s32 @!p0 $0x0, s1;
	[sflag:s0] =	ssyncset.done @!p0 $0x0  }
0x16a: {  	[sflag:s0] =	ssyncadd.s32 @!p0 s1  }
0x16b: {  	[bflag:$0x3] =	sbarrier.arrive $0xFFFF  }
0x16c: {  	_ =	shalt  }

</sc_bundles>
